<compile_context>
chip_gen: v7x
topology: tpu7x:2x2x1
jax: 0.10.2.dev20260603
libtpu: 0.0.44.dev20260713+nightly
codegen_flags: <defaults>
</compile_context>

<pallas_src>
import functools

import jax
import jax.numpy as jnp
from jax.experimental import pallas as pl
from jax.experimental.pallas import tpu as pltpu
from jax.experimental.pallas import tpu_sc as plsc


_BLK = 128
_BLK_LOG2 = 7



def _routing_body(x_ref, gw_ref, pos_ref, meta_ref):
    T, D = x_ref.shape
    E = gw_ref.shape[1]
    NUPAD = 128
    logits = jax.lax.dot_general(
        x_ref[...].astype(jnp.bfloat16), gw_ref[...].astype(jnp.bfloat16),
        (((1,), (0,)), ((), ())),
        preferred_element_type=jnp.float32,
    )
    iota_e = jax.lax.broadcasted_iota(jnp.int32, (T, E), 1)
    mx = jnp.max(logits, axis=1, keepdims=True)
    eid = jnp.min(jnp.where(logits == mx, iota_e, E), axis=1, keepdims=True)
    onehot = (iota_e == eid).astype(jnp.int32)

    incl = onehot
    d = 1
    while d < T:
        shifted = jnp.concatenate(
            [jnp.zeros((d, E), jnp.int32), incl[: T - d, :]], axis=0)
        incl = incl + shifted
        d *= 2
    rank_excl = incl - onehot
    counts = incl[T - 1:T, :]

    cincl = counts
    d = 1
    while d < E:
        shifted = jnp.concatenate(
            [jnp.zeros((1, d), jnp.int32), cincl[:, : E - d]], axis=1)
        cincl = cincl + shifted
        d *= 2
    off_excl = cincl - counts

    pos = jnp.sum(onehot * (rank_excl + off_excl), axis=1, keepdims=True)
    pos_ref[...] = pos

    counts_c = jax.lax.dot_general(
        onehot.astype(jnp.float32), jnp.ones((T, 1), jnp.float32),
        (((0,), (0,)), ((), ())),
        preferred_element_type=jnp.float32).astype(jnp.int32)
    cin = counts_c
    d = 1
    while d < E:
        cin = cin + jnp.concatenate(
            [jnp.zeros((d, 1), jnp.int32), cin[: E - d, :]], axis=0)
        d *= 2
    off_lo_c = cin - counts_c
    off_hi_c = cin
    first_tile_c = jax.lax.shift_right_arithmetic(off_lo_c, _BLK_LOG2)
    last_tile_c = jax.lax.shift_right_arithmetic(off_hi_c - 1, _BLK_LOG2)
    upe_c = jnp.where(counts_c > 0, last_tile_c - first_tile_c + 1, 0)
    uin = upe_c
    d = 1
    while d < E:
        uin = uin + jnp.concatenate(
            [jnp.zeros((d, 1), jnp.int32), uin[: E - d, :]], axis=0)
        d *= 2
    ustart_c = uin - upe_c
    total = jnp.sum(uin[E - 1:E, :], axis=1, keepdims=True)

    u_row = jax.lax.broadcasted_iota(jnp.int32, (1, NUPAD), 1)
    uc = jnp.minimum(u_row, total - 1)
    in_e = (uc >= ustart_c) & (uc < ustart_c + upe_c)
    e_ids_c = jax.lax.broadcasted_iota(jnp.int32, (E, 1), 0)
    zero = jnp.zeros((E, NUPAD), jnp.int32)
    e_arr = jnp.sum(jnp.where(in_e, e_ids_c + zero, 0), axis=0, keepdims=True)
    m_arr = jnp.sum(
        jnp.where(in_e, first_tile_c + (uc - ustart_c), 0), axis=0,
        keepdims=True)
    valid_u = u_row < total
    start_arr = jnp.where(
        valid_u,
        jnp.sum(jnp.where(in_e, off_lo_c + zero, 0), axis=0, keepdims=True), 0)
    end_arr = jnp.where(
        valid_u,
        jnp.sum(jnp.where(in_e, off_hi_c + zero, 0), axis=0, keepdims=True), 0)
    prev_m = jnp.concatenate([m_arr[:, :1], m_arr[:, : NUPAD - 1]], axis=1)
    first_arr = ((u_row == 0) | (m_arr != prev_m)).astype(jnp.int32)

    meta_ref[...] = jnp.concatenate(
        [e_arr, m_arr, first_arr, start_arr, end_arr,
         jnp.zeros((3, NUPAD), jnp.int32)], axis=0)


def _route(x_flat, gate_w):
    T, D = x_flat.shape
    return pl.pallas_call(
        _routing_body,
        out_shape=(
            jax.ShapeDtypeStruct((T, 1), jnp.int32),
            jax.ShapeDtypeStruct((8, 128), jnp.int32),
        ),
    )(x_flat, gate_w)



_SC_NW = 32


def _sc_scatter_rows(rows, idx):
    T, D = rows.shape
    per_w = T // _SC_NW
    mesh = plsc.VectorSubcoreMesh(core_axis_name="c", subcore_axis_name="s")

    @functools.partial(
        pl.kernel,
        out_type=jax.ShapeDtypeStruct((T, D), rows.dtype),
        mesh=mesh,
        scratch_types=[
            pltpu.VMEM((per_w,), jnp.int32),
            pltpu.VMEM((per_w, D), rows.dtype),
            pltpu.SemaphoreType.DMA,
        ],
    )
    def _k(x_hbm, i_hbm, o_hbm, idx_v, rows_v, sem):
        wid = jax.lax.axis_index("s") * 2 + jax.lax.axis_index("c")
        base = wid * per_w
        pltpu.sync_copy(i_hbm.at[pl.ds(base, per_w)], idx_v)
        pltpu.sync_copy(x_hbm.at[pl.ds(base, per_w)], rows_v)
        pltpu.async_copy(rows_v, o_hbm.at[idx_v], sem).wait()

    return _k(rows, idx)


def _sc_gather_rows(table, idx):
    T = idx.shape[0]
    D = table.shape[1]
    per_w = T // _SC_NW
    mesh = plsc.VectorSubcoreMesh(core_axis_name="c", subcore_axis_name="s")

    @functools.partial(
        pl.kernel,
        out_type=jax.ShapeDtypeStruct((T, D), table.dtype),
        mesh=mesh,
        scratch_types=[
            pltpu.VMEM((per_w,), jnp.int32),
            pltpu.VMEM((per_w, D), table.dtype),
            pltpu.SemaphoreType.DMA,
        ],
    )
    def _k(t_hbm, i_hbm, o_hbm, idx_v, rows_v, sem):
        wid = jax.lax.axis_index("s") * 2 + jax.lax.axis_index("c")
        base = wid * per_w
        pltpu.sync_copy(i_hbm.at[pl.ds(base, per_w)], idx_v)
        pltpu.async_copy(t_hbm.at[idx_v], rows_v, sem).wait()
        pltpu.sync_copy(rows_v, o_hbm.at[pl.ds(base, per_w)])

    return _k(table, idx)



def _ffn_body(meta_ref, xs_ref, wg_ref, wu_ref, wd_ref, out_ref):
    u = pl.program_id(0)
    BLK = xs_ref.shape[0]
    xb = xs_ref[...].astype(jnp.bfloat16)
    wg = wg_ref[0].astype(jnp.bfloat16)
    wu = wu_ref[0].astype(jnp.bfloat16)
    wd = wd_ref[0].astype(jnp.bfloat16)
    g = jnp.dot(xb, wg, preferred_element_type=jnp.float32)
    v = jnp.dot(xb, wu, preferred_element_type=jnp.float32)
    h = (g * jax.nn.sigmoid(g) * v).astype(jnp.bfloat16)
    y = jnp.dot(h, wd, preferred_element_type=jnp.float32)

    rows = meta_ref[1, u] * BLK + jax.lax.broadcasted_iota(
        jnp.int32, (BLK, 1), 0)
    mask = (rows >= meta_ref[3, u]) & (rows < meta_ref[4, u])
    y = jnp.where(mask, y, 0.0)

    @pl.when(meta_ref[2, u] == 1)
    def _init():
        out_ref[...] = y

    @pl.when(meta_ref[2, u] == 0)
    def _acc():
        out_ref[...] = out_ref[...] + y


def _ffn(xs, Wg, Wu, Wd, meta):
    T, D = xs.shape
    E, _, H = Wg.shape
    NU = T // _BLK + E
    grid_spec = pltpu.PrefetchScalarGridSpec(
        num_scalar_prefetch=1,
        grid=(NU,),
        in_specs=[
            pl.BlockSpec((_BLK, D), lambda u, meta: (meta[1, u], 0)),
            pl.BlockSpec((1, D, H), lambda u, meta: (meta[0, u], 0, 0)),
            pl.BlockSpec((1, D, H), lambda u, meta: (meta[0, u], 0, 0)),
            pl.BlockSpec((1, H, D), lambda u, meta: (meta[0, u], 0, 0)),
        ],
        out_specs=pl.BlockSpec((_BLK, D), lambda u, meta: (meta[1, u], 0)),
    )
    return pl.pallas_call(
        _ffn_body,
        grid_spec=grid_spec,
        out_shape=jax.ShapeDtypeStruct((T, D), jnp.float32),
    )(meta, xs, Wg, Wu, Wd)



def kernel(x, gate_w, Wg, Wu, Wd):
    Bb, Tt, D = x.shape
    E = gate_w.shape[1]
    x_flat = x.reshape(Bb * Tt, D)
    T = Bb * Tt

    pos2d, meta = _route(x_flat, gate_w)
    pos = pos2d.reshape(T)

    xs = _sc_scatter_rows(x_flat, pos)
    ys = _ffn(xs, Wg, Wu, Wd, meta)
    out = _sc_gather_rows(ys, pos)
    return out.reshape(Bb, Tt, D)

# --- scband reference (transcript-rebuilt; emitter-appended) ---
"""Pipeline reference for scband-mo-e-10204842295759 (READ-ONLY COPY).

The authoritative reference and input builder live on the scoring server;
editing this copy changes nothing except your own understanding.
"""

import jax, jax.numpy as jnp
import numpy as np

DIM = 768
HID = 512  # int(2*768/3)=512 -> round up to multiple_of 256 -> 512
E = 64
TOPK = 1
B = 1
T = 2048


def setup_inputs(seed: int = 0) -> dict:
    key = jax.random.key(seed)
    ks = jax.random.split(key, 5)
    x = jax.random.normal(ks[0], (B, T, DIM), dtype=jnp.float32)
    gate_w = jax.random.normal(ks[1], (DIM, E), dtype=jnp.float32) * 0.02
    Wg = jax.random.normal(ks[2], (E, DIM, HID), dtype=jnp.float32) * 0.02
    Wu = jax.random.normal(ks[3], (E, DIM, HID), dtype=jnp.float32) * 0.02
    Wd = jax.random.normal(ks[4], (E, HID, DIM), dtype=jnp.float32) * 0.02
    return {"x": x, "gate_w": gate_w, "Wg": Wg, "Wu": Wu, "Wd": Wd}


def reference(x, gate_w, Wg, Wu, Wd):
    Bb, Tt, D = x.shape
    x_flat = x.reshape(-1, D)
    gate_logits = x_flat @ gate_w
    weights, indices = jax.lax.top_k(gate_logits, TOPK)
    weights = jax.nn.softmax(weights, axis=-1)
    output = jnp.zeros_like(x_flat)
    for i in range(E):
        ew = jnp.sum(jnp.where(indices == i, weights, 0.0), axis=-1)[:, None]
        h = jax.nn.silu(x_flat @ Wg[i]) * (x_flat @ Wu[i])
        expert_out = h @ Wd[i]
        output = output + expert_out * ew
    return output.reshape(Bb, Tt, D)

if __name__ == "__main__":
    import jax
    _d = setup_inputs()
    print(jax.jit(kernel)(*tuple(_d.values())))

</pallas_src>

<mosaic_0001>
#map = affine_map<(d0, d1) -> (0, 0)>
#map1 = affine_map<(d0, d1) -> (0)>
module attributes {stable_mosaic.version = 14 : i64} {
  func.func @_k(%arg0: i32, %arg1: i32, %arg2: memref<2048x768xf32, #tpu.memory_space<hbm>>, %arg3: memref<2048xi32, #tpu.memory_space<hbm>>, %arg4: memref<2048x768xf32, #tpu.memory_space<hbm>>, %arg5: memref<64xi32, #tpu.memory_space<vmem>>, %arg6: memref<64x768xf32, #tpu.memory_space<vmem>>, %arg7: memref<!tpu.dma_semaphore, #tpu.memory_space<semaphore_mem>>) attributes {dimension_semantics = [#tpu.dimension_semantics<core_parallel>, #tpu.dimension_semantics<subcore_parallel>], iteration_bounds = array<i64: 2, 16>, scalar_prefetch = 0 : i64, scratch_operands = 3 : i64, tpu.core_type = #tpu.core_type<sc_vector_subcore>, window_params = [{transform_indices = #map}, {transform_indices = #map1}, {transform_indices = #map}]} {
    %mul3A = arith.constant 2 : i32
    %mul3A_0 = arith.muli %arg1, %mul3A : i32
    %add3A = arith.addi %mul3A_0, %arg0 : i32
    %mul3A_1 = arith.constant 64 : i32
    %mul3A_2 = arith.muli %add3A, %mul3A_1 : i32
    "tpu.region"() ({
      %run_scoped3A = tpu.sem_alloc : memref<!tpu.dma_semaphore, #tpu.memory_space<semaphore_mem>>
      %dma_start3A_7 = tpu.memref_slice %arg3[%mul3A_2] : memref<2048xi32, #tpu.memory_space<hbm>> -> memref<64xi32, #tpu.memory_space<hbm>>
      %dma_start3A_8 = tpu.memref_slice %arg3[%mul3A_2] : memref<2048xi32, #tpu.memory_space<hbm>> -> memref<64xi32, #tpu.memory_space<hbm>>
      tpu.enqueue_dma source(%dma_start3A_8 : memref<64xi32, #tpu.memory_space<hbm>>) target(%arg5 : memref<64xi32, #tpu.memory_space<vmem>>) target_semaphore(%run_scoped3A : memref<!tpu.dma_semaphore, #tpu.memory_space<semaphore_mem>>)
      %dma_wait3A_9 = tpu.memref_slice %arg3[%mul3A_2] : memref<2048xi32, #tpu.memory_space<hbm>> -> memref<64xi32, #tpu.memory_space<hbm>>
      %dma_wait3A_10 = tpu.memref_slice %arg3[%mul3A_2] : memref<2048xi32, #tpu.memory_space<hbm>> -> memref<64xi32, #tpu.memory_space<hbm>>
      tpu.wait_dma2 semaphore(%run_scoped3A : memref<!tpu.dma_semaphore, #tpu.memory_space<semaphore_mem>>) src(%dma_wait3A_10 : memref<64xi32, #tpu.memory_space<hbm>>) dst(%arg5 : memref<64xi32, #tpu.memory_space<vmem>>)
      tpu.yield
    }) : () -> ()
    "tpu.region"() ({
      %run_scoped3A = tpu.sem_alloc : memref<!tpu.dma_semaphore, #tpu.memory_space<semaphore_mem>>
      %dma_start3A_7 = arith.constant 0 : i32
      %dma_start3A_8 = tpu.memref_slice %arg2[%mul3A_2, %dma_start3A_7] : memref<2048x768xf32, #tpu.memory_space<hbm>> -> memref<64x768xf32, #tpu.memory_space<hbm>>
      %dma_start3A_9 = arith.constant 0 : i32
      %dma_start3A_10 = tpu.memref_slice %arg2[%mul3A_2, %dma_start3A_9] : memref<2048x768xf32, #tpu.memory_space<hbm>> -> memref<64x768xf32, #tpu.memory_space<hbm>>
      tpu.enqueue_dma source(%dma_start3A_10 : memref<64x768xf32, #tpu.memory_space<hbm>>) target(%arg6 : memref<64x768xf32, #tpu.memory_space<vmem>>) target_semaphore(%run_scoped3A : memref<!tpu.dma_semaphore, #tpu.memory_space<semaphore_mem>>)
      %dma_wait3A_11 = arith.constant 0 : i32
      %dma_wait3A_12 = tpu.memref_slice %arg2[%mul3A_2, %dma_wait3A_11] : memref<2048x768xf32, #tpu.memory_space<hbm>> -> memref<64x768xf32, #tpu.memory_space<hbm>>
      %dma_wait3A_13 = arith.constant 0 : i32
      %dma_wait3A_14 = tpu.memref_slice %arg2[%mul3A_2, %dma_wait3A_13] : memref<2048x768xf32, #tpu.memory_space<hbm>> -> memref<64x768xf32, #tpu.memory_space<hbm>>
      tpu.wait_dma2 semaphore(%run_scoped3A : memref<!tpu.dma_semaphore, #tpu.memory_space<semaphore_mem>>) src(%dma_wait3A_14 : memref<64x768xf32, #tpu.memory_space<hbm>>) dst(%arg6 : memref<64x768xf32, #tpu.memory_space<vmem>>)
      tpu.yield
    }) : () -> ()
    %dma_start3A = arith.constant 0 : i32
    %dma_start3A_3 = arith.constant 0 : i32
    %dma_start3A_4 = tpu.memref_slice %arg4[%dma_start3A, %dma_start3A_3] : memref<2048x768xf32, #tpu.memory_space<hbm>> -> memref<2048x768xf32, #tpu.memory_space<hbm>>
    tpu.enqueue_indirect_dma source(%arg6 : memref<64x768xf32, #tpu.memory_space<vmem>>) target(%dma_start3A_4 : memref<2048x768xf32, #tpu.memory_space<hbm>>) offsets(%arg5 : memref<64xi32, #tpu.memory_space<vmem>>) semaphore(%arg7 : memref<!tpu.dma_semaphore, #tpu.memory_space<semaphore_mem>>)
    %dma_wait3A = arith.constant 0 : i32
    %dma_wait3A_5 = arith.constant 0 : i32
    %dma_wait3A_6 = tpu.memref_slice %arg4[%dma_wait3A, %dma_wait3A_5] : memref<2048x768xf32, #tpu.memory_space<hbm>> -> memref<2048x768xf32, #tpu.memory_space<hbm>>
    tpu.wait_indirect_dma semaphore(%arg7 : memref<!tpu.dma_semaphore, #tpu.memory_space<semaphore_mem>>) src(%arg6 : memref<64x768xf32, #tpu.memory_space<vmem>>) dst(%dma_wait3A_6 : memref<2048x768xf32, #tpu.memory_space<hbm>>)
    return
  }
}

#map = affine_map<(d0, d1) -> (0, 0)>
#map1 = affine_map<(d0, d1) -> (0)>
module attributes {stable_mosaic.version = 14 : i64} {
  func.func @_k(%arg0: i32, %arg1: i32, %arg2: memref<2048x768xf32, #tpu.memory_space<hbm>>, %arg3: memref<2048xi32, #tpu.memory_space<hbm>>, %arg4: memref<2048x768xf32, #tpu.memory_space<hbm>>, %arg5: memref<64xi32, #tpu.memory_space<vmem>>, %arg6: memref<64x768xf32, #tpu.memory_space<vmem>>, %arg7: memref<!tpu.dma_semaphore, #tpu.memory_space<semaphore_mem>>) attributes {dimension_semantics = [#tpu.dimension_semantics<core_parallel>, #tpu.dimension_semantics<subcore_parallel>], iteration_bounds = array<i64: 2, 16>, scalar_prefetch = 0 : i64, scratch_operands = 3 : i64, tpu.core_type = #tpu.core_type<sc_vector_subcore>, window_params = [{transform_indices = #map}, {transform_indices = #map1}, {transform_indices = #map}]} {
    %mul3A = arith.constant 2 : i32
    %mul3A_0 = arith.muli %arg1, %mul3A : i32
    %add3A = arith.addi %mul3A_0, %arg0 : i32
    %mul3A_1 = arith.constant 64 : i32
    %mul3A_2 = arith.muli %add3A, %mul3A_1 : i32
    "tpu.region"() ({
      %run_scoped3A = tpu.sem_alloc : memref<!tpu.dma_semaphore, #tpu.memory_space<semaphore_mem>>
      %dma_start3A_7 = tpu.memref_slice %arg3[%mul3A_2] : memref<2048xi32, #tpu.memory_space<hbm>> -> memref<64xi32, #tpu.memory_space<hbm>>
      %dma_start3A_8 = tpu.memref_slice %arg3[%mul3A_2] : memref<2048xi32, #tpu.memory_space<hbm>> -> memref<64xi32, #tpu.memory_space<hbm>>
      tpu.enqueue_dma source(%dma_start3A_8 : memref<64xi32, #tpu.memory_space<hbm>>) target(%arg5 : memref<64xi32, #tpu.memory_space<vmem>>) target_semaphore(%run_scoped3A : memref<!tpu.dma_semaphore, #tpu.memory_space<semaphore_mem>>)
      %dma_wait3A_9 = tpu.memref_slice %arg3[%mul3A_2] : memref<2048xi32, #tpu.memory_space<hbm>> -> memref<64xi32, #tpu.memory_space<hbm>>
      %dma_wait3A_10 = tpu.memref_slice %arg3[%mul3A_2] : memref<2048xi32, #tpu.memory_space<hbm>> -> memref<64xi32, #tpu.memory_space<hbm>>
      tpu.wait_dma2 semaphore(%run_scoped3A : memref<!tpu.dma_semaphore, #tpu.memory_space<semaphore_mem>>) src(%dma_wait3A_10 : memref<64xi32, #tpu.memory_space<hbm>>) dst(%arg5 : memref<64xi32, #tpu.memory_space<vmem>>)
      tpu.yield
    }) : () -> ()
    %dma_start3A = arith.constant 0 : i32
    %dma_start3A_3 = arith.constant 0 : i32
    %dma_start3A_4 = tpu.memref_slice %arg2[%dma_start3A, %dma_start3A_3] : memref<2048x768xf32, #tpu.memory_space<hbm>> -> memref<2048x768xf32, #tpu.memory_space<hbm>>
    tpu.enqueue_indirect_dma source(%dma_start3A_4 : memref<2048x768xf32, #tpu.memory_space<hbm>>) target(%arg6 : memref<64x768xf32, #tpu.memory_space<vmem>>) offsets(%arg5 : memref<64xi32, #tpu.memory_space<vmem>>) semaphore(%arg7 : memref<!tpu.dma_semaphore, #tpu.memory_space<semaphore_mem>>)
    %dma_wait3A = arith.constant 0 : i32
    %dma_wait3A_5 = arith.constant 0 : i32
    %dma_wait3A_6 = tpu.memref_slice %arg2[%dma_wait3A, %dma_wait3A_5] : memref<2048x768xf32, #tpu.memory_space<hbm>> -> memref<2048x768xf32, #tpu.memory_space<hbm>>
    tpu.wait_indirect_dma semaphore(%arg7 : memref<!tpu.dma_semaphore, #tpu.memory_space<semaphore_mem>>) src(%dma_wait3A_6 : memref<2048x768xf32, #tpu.memory_space<hbm>>) dst(%arg6 : memref<64x768xf32, #tpu.memory_space<vmem>>)
    "tpu.region"() ({
      %run_scoped3A = tpu.sem_alloc : memref<!tpu.dma_semaphore, #tpu.memory_space<semaphore_mem>>
      %dma_start3A_7 = arith.constant 0 : i32
      %dma_start3A_8 = tpu.memref_slice %arg4[%mul3A_2, %dma_start3A_7] : memref<2048x768xf32, #tpu.memory_space<hbm>> -> memref<64x768xf32, #tpu.memory_space<hbm>>
      %dma_start3A_9 = arith.constant 0 : i32
      %dma_start3A_10 = tpu.memref_slice %arg4[%mul3A_2, %dma_start3A_9] : memref<2048x768xf32, #tpu.memory_space<hbm>> -> memref<64x768xf32, #tpu.memory_space<hbm>>
      tpu.enqueue_dma source(%arg6 : memref<64x768xf32, #tpu.memory_space<vmem>>) target(%dma_start3A_10 : memref<64x768xf32, #tpu.memory_space<hbm>>) target_semaphore(%run_scoped3A : memref<!tpu.dma_semaphore, #tpu.memory_space<semaphore_mem>>)
      %dma_wait3A_11 = arith.constant 0 : i32
      %dma_wait3A_12 = tpu.memref_slice %arg4[%mul3A_2, %dma_wait3A_11] : memref<2048x768xf32, #tpu.memory_space<hbm>> -> memref<64x768xf32, #tpu.memory_space<hbm>>
      %dma_wait3A_13 = arith.constant 0 : i32
      %dma_wait3A_14 = tpu.memref_slice %arg4[%mul3A_2, %dma_wait3A_13] : memref<2048x768xf32, #tpu.memory_space<hbm>> -> memref<64x768xf32, #tpu.memory_space<hbm>>
      tpu.wait_dma2 semaphore(%run_scoped3A : memref<!tpu.dma_semaphore, #tpu.memory_space<semaphore_mem>>) src(%arg6 : memref<64x768xf32, #tpu.memory_space<vmem>>) dst(%dma_wait3A_14 : memref<64x768xf32, #tpu.memory_space<hbm>>)
      tpu.yield
    }) : () -> ()
    return
  }
}

module attributes {stable_mosaic.version = 14 : i64} {
  func.func @_routing_body(%arg0: memref<2048x768xf32, #tpu.memory_space<vmem>>, %arg1: memref<768x64xf32, #tpu.memory_space<vmem>>, %arg2: memref<2048x1xi32, #tpu.memory_space<vmem>>, %arg3: memref<8x128xi32, #tpu.memory_space<vmem>>) attributes {dimension_semantics = [], scalar_prefetch = 0 : i64, scratch_operands = 0 : i64, tpu.core_type = #tpu.core_type<tc>} {
    %get3A = arith.constant 0 : index
    %get3A_0 = arith.constant 0 : index
    %get3A_1 = vector.load %arg0[%get3A, %get3A_0] : memref<2048x768xf32, #tpu.memory_space<vmem>>, vector<2048x768xf32>
    %convert_element_type3A = arith.truncf %get3A_1 : vector<2048x768xf32> to vector<2048x768xbf16>
    %get3A_2 = arith.constant 0 : index
    %get3A_3 = arith.constant 0 : index
    %get3A_4 = vector.load %arg1[%get3A_2, %get3A_3] : memref<768x64xf32, #tpu.memory_space<vmem>>, vector<768x64xf32>
    %convert_element_type3A_5 = arith.truncf %get3A_4 : vector<768x64xf32> to vector<768x64xbf16>
    %dot_general3A = arith.constant dense<0.000000e+00> : vector<2048x64xf32>
    %dot_general3A_6 = tpu.matmul %convert_element_type3A, %convert_element_type3A_5, %dot_general3A {dimension_numbers = #tpu.dot_dimension_numbers<[1], [0], [0], [1], [0, 0, 1, 1], [], []>, transpose_lhs_hint = false} : vector<2048x768xbf16>, vector<768x64xbf16>, vector<2048x64xf32> -> vector<2048x64xf32>
    %iota3A = tpu.iota {dimensions = array<i32: 1>} : vector<2048x64xi32>
    %reduce_max3A = arith.constant dense<0xFF800000> : vector<2048xf32>
    %reduce_max3A_7 = vector.multi_reduction <maximumf>, %dot_general3A_6, %reduce_max3A [1] : vector<2048x64xf32> to vector<2048xf32>
    %broadcast_in_dim3A = vector.shape_cast %reduce_max3A_7 : vector<2048xf32> to vector<2048x1xf32>
    %eq3A = vector.broadcast %broadcast_in_dim3A : vector<2048x1xf32> to vector<2048x64xf32>
    %eq3A_8 = arith.cmpf oeq, %dot_general3A_6, %eq3A : vector<2048x64xf32>
    %jit3A = arith.constant 64 : i32
    %broadcast_in_dim3A_9 = vector.broadcast %jit3A : i32 to vector<2048x64xi32>
    %select_n3A = arith.select %eq3A_8, %iota3A, %broadcast_in_dim3A_9 : vector<2048x64xi1>, vector<2048x64xi32>
    %reduce_min3A = arith.constant dense<2147483647> : vector<2048xi32>
    %reduce_min3A_10 = vector.multi_reduction <minsi>, %select_n3A, %reduce_min3A [1] : vector<2048x64xi32> to vector<2048xi32>
    %broadcast_in_dim3A_11 = vector.shape_cast %reduce_min3A_10 : vector<2048xi32> to vector<2048x1xi32>
    %eq3A_12 = vector.broadcast %broadcast_in_dim3A_11 : vector<2048x1xi32> to vector<2048x64xi32>
    %eq3A_13 = arith.cmpi eq, %iota3A, %eq3A_12 : vector<2048x64xi32>
    %convert_element_type3A_14 = arith.extui %eq3A_13 : vector<2048x64xi1> to vector<2048x64xi32>
    %broadcast_in_dim3A_15 = arith.constant 0 : i32
    %broadcast_in_dim3A_16 = vector.broadcast %broadcast_in_dim3A_15 : i32 to vector<1x64xi32>
    %slice3A = vector.extract_strided_slice %convert_element_type3A_14 {offsets = [0, 0], sizes = [2047, 64], strides = [1, 1]} : vector<2048x64xi32> to vector<2047x64xi32>
    %concatenate3A = tpu.concatenate %broadcast_in_dim3A_16, %slice3A in 0 : vector<1x64xi32>, vector<2047x64xi32> -> vector<2048x64xi32>
    %add3A = arith.addi %convert_element_type3A_14, %concatenate3A : vector<2048x64xi32>
    %broadcast_in_dim3A_17 = arith.constant 0 : i32
    %broadcast_in_dim3A_18 = vector.broadcast %broadcast_in_dim3A_17 : i32 to vector<2x64xi32>
    %slice3A_19 = vector.extract_strided_slice %add3A {offsets = [0, 0], sizes = [2046, 64], strides = [1, 1]} : vector<2048x64xi32> to vector<2046x64xi32>
    %concatenate3A_20 = tpu.concatenate %broadcast_in_dim3A_18, %slice3A_19 in 0 : vector<2x64xi32>, vector<2046x64xi32> -> vector<2048x64xi32>
    %add3A_21 = arith.addi %add3A, %concatenate3A_20 : vector<2048x64xi32>
    %broadcast_in_dim3A_22 = arith.constant 0 : i32
    %broadcast_in_dim3A_23 = vector.broadcast %broadcast_in_dim3A_22 : i32 to vector<4x64xi32>
    %slice3A_24 = vector.extract_strided_slice %add3A_21 {offsets = [0, 0], sizes = [2044, 64], strides = [1, 1]} : vector<2048x64xi32> to vector<2044x64xi32>
    %concatenate3A_25 = tpu.concatenate %broadcast_in_dim3A_23, %slice3A_24 in 0 : vector<4x64xi32>, vector<2044x64xi32> -> vector<2048x64xi32>
    %add3A_26 = arith.addi %add3A_21, %concatenate3A_25 : vector<2048x64xi32>
    %broadcast_in_dim3A_27 = arith.constant 0 : i32
    %broadcast_in_dim3A_28 = vector.broadcast %broadcast_in_dim3A_27 : i32 to vector<8x64xi32>
    %slice3A_29 = vector.extract_strided_slice %add3A_26 {offsets = [0, 0], sizes = [2040, 64], strides = [1, 1]} : vector<2048x64xi32> to vector<2040x64xi32>
    %concatenate3A_30 = tpu.concatenate %broadcast_in_dim3A_28, %slice3A_29 in 0 : vector<8x64xi32>, vector<2040x64xi32> -> vector<2048x64xi32>
    %add3A_31 = arith.addi %add3A_26, %concatenate3A_30 : vector<2048x64xi32>
    %broadcast_in_dim3A_32 = arith.constant 0 : i32
    %broadcast_in_dim3A_33 = vector.broadcast %broadcast_in_dim3A_32 : i32 to vector<16x64xi32>
    %slice3A_34 = vector.extract_strided_slice %add3A_31 {offsets = [0, 0], sizes = [2032, 64], strides = [1, 1]} : vector<2048x64xi32> to vector<2032x64xi32>
    %concatenate3A_35 = tpu.concatenate %broadcast_in_dim3A_33, %slice3A_34 in 0 : vector<16x64xi32>, vector<2032x64xi32> -> vector<2048x64xi32>
    %add3A_36 = arith.addi %add3A_31, %concatenate3A_35 : vector<2048x64xi32>
    %broadcast_in_dim3A_37 = arith.constant 0 : i32
    %broadcast_in_dim3A_38 = vector.broadcast %broadcast_in_dim3A_37 : i32 to vector<32x64xi32>
    %slice3A_39 = vector.extract_strided_slice %add3A_36 {offsets = [0, 0], sizes = [2016, 64], strides = [1, 1]} : vector<2048x64xi32> to vector<2016x64xi32>
    %concatenate3A_40 = tpu.concatenate %broadcast_in_dim3A_38, %slice3A_39 in 0 : vector<32x64xi32>, vector<2016x64xi32> -> vector<2048x64xi32>
    %add3A_41 = arith.addi %add3A_36, %concatenate3A_40 : vector<2048x64xi32>
    %broadcast_in_dim3A_42 = arith.constant 0 : i32
    %broadcast_in_dim3A_43 = vector.broadcast %broadcast_in_dim3A_42 : i32 to vector<64x64xi32>
    %slice3A_44 = vector.extract_strided_slice %add3A_41 {offsets = [0, 0], sizes = [1984, 64], strides = [1, 1]} : vector<2048x64xi32> to vector<1984x64xi32>
    %concatenate3A_45 = tpu.concatenate %broadcast_in_dim3A_43, %slice3A_44 in 0 : vector<64x64xi32>, vector<1984x64xi32> -> vector<2048x64xi32>
    %add3A_46 = arith.addi %add3A_41, %concatenate3A_45 : vector<2048x64xi32>
    %broadcast_in_dim3A_47 = arith.constant 0 : i32
    %broadcast_in_dim3A_48 = vector.broadcast %broadcast_in_dim3A_47 : i32 to vector<128x64xi32>
    %slice3A_49 = vector.extract_strided_slice %add3A_46 {offsets = [0, 0], sizes = [1920, 64], strides = [1, 1]} : vector<2048x64xi32> to vector<1920x64xi32>
    %concatenate3A_50 = tpu.concatenate %broadcast_in_dim3A_48, %slice3A_49 in 0 : vector<128x64xi32>, vector<1920x64xi32> -> vector<2048x64xi32>
    %add3A_51 = arith.addi %add3A_46, %concatenate3A_50 : vector<2048x64xi32>
    %broadcast_in_dim3A_52 = arith.constant 0 : i32
    %broadcast_in_dim3A_53 = vector.broadcast %broadcast_in_dim3A_52 : i32 to vector<256x64xi32>
    %slice3A_54 = vector.extract_strided_slice %add3A_51 {offsets = [0, 0], sizes = [1792, 64], strides = [1, 1]} : vector<2048x64xi32> to vector<1792x64xi32>
    %concatenate3A_55 = tpu.concatenate %broadcast_in_dim3A_53, %slice3A_54 in 0 : vector<256x64xi32>, vector<1792x64xi32> -> vector<2048x64xi32>
    %add3A_56 = arith.addi %add3A_51, %concatenate3A_55 : vector<2048x64xi32>
    %broadcast_in_dim3A_57 = arith.constant 0 : i32
    %broadcast_in_dim3A_58 = vector.broadcast %broadcast_in_dim3A_57 : i32 to vector<512x64xi32>
    %slice3A_59 = vector.extract_strided_slice %add3A_56 {offsets = [0, 0], sizes = [1536, 64], strides = [1, 1]} : vector<2048x64xi32> to vector<1536x64xi32>
    %concatenate3A_60 = tpu.concatenate %broadcast_in_dim3A_58, %slice3A_59 in 0 : vector<512x64xi32>, vector<1536x64xi32> -> vector<2048x64xi32>
    %add3A_61 = arith.addi %add3A_56, %concatenate3A_60 : vector<2048x64xi32>
    %broadcast_in_dim3A_62 = arith.constant 0 : i32
    %broadcast_in_dim3A_63 = vector.broadcast %broadcast_in_dim3A_62 : i32 to vector<1024x64xi32>
    %slice3A_64 = vector.extract_strided_slice %add3A_61 {offsets = [0, 0], sizes = [1024, 64], strides = [1, 1]} : vector<2048x64xi32> to vector<1024x64xi32>
    %concatenate3A_65 = tpu.concatenate %broadcast_in_dim3A_63, %slice3A_64 in 0 : vector<1024x64xi32>, vector<1024x64xi32> -> vector<2048x64xi32>
    %add3A_66 = arith.addi %add3A_61, %concatenate3A_65 : vector<2048x64xi32>
    %sub3A = arith.subi %add3A_66, %convert_element_type3A_14 : vector<2048x64xi32>
    %slice3A_67 = vector.extract_strided_slice %add3A_66 {offsets = [2047, 0], sizes = [1, 64], strides = [1, 1]} : vector<2048x64xi32> to vector<1x64xi32>
    %broadcast_in_dim3A_68 = arith.constant 0 : i32
    %broadcast_in_dim3A_69 = vector.broadcast %broadcast_in_dim3A_68 : i32 to vector<1x1xi32>
    %slice3A_70 = vector.extract_strided_slice %slice3A_67 {offsets = [0, 0], sizes = [1, 63], strides = [1, 1]} : vector<1x64xi32> to vector<1x63xi32>
    %concatenate3A_71 = tpu.concatenate %broadcast_in_dim3A_69, %slice3A_70 in 1 : vector<1x1xi32>, vector<1x63xi32> -> vector<1x64xi32>
    %add3A_72 = arith.addi %slice3A_67, %concatenate3A_71 : vector<1x64xi32>
    %broadcast_in_dim3A_73 = arith.constant 0 : i32
    %broadcast_in_dim3A_74 = vector.broadcast %broadcast_in_dim3A_73 : i32 to vector<1x2xi32>
    %slice3A_75 = vector.extract_strided_slice %add3A_72 {offsets = [0, 0], sizes = [1, 62], strides = [1, 1]} : vector<1x64xi32> to vector<1x62xi32>
    %concatenate3A_76 = tpu.concatenate %broadcast_in_dim3A_74, %slice3A_75 in 1 : vector<1x2xi32>, vector<1x62xi32> -> vector<1x64xi32>
    %add3A_77 = arith.addi %add3A_72, %concatenate3A_76 : vector<1x64xi32>
    %broadcast_in_dim3A_78 = arith.constant 0 : i32
    %broadcast_in_dim3A_79 = vector.broadcast %broadcast_in_dim3A_78 : i32 to vector<1x4xi32>
    %slice3A_80 = vector.extract_strided_slice %add3A_77 {offsets = [0, 0], sizes = [1, 60], strides = [1, 1]} : vector<1x64xi32> to vector<1x60xi32>
    %concatenate3A_81 = tpu.concatenate %broadcast_in_dim3A_79, %slice3A_80 in 1 : vector<1x4xi32>, vector<1x60xi32> -> vector<1x64xi32>
    %add3A_82 = arith.addi %add3A_77, %concatenate3A_81 : vector<1x64xi32>
    %broadcast_in_dim3A_83 = arith.constant 0 : i32
    %broadcast_in_dim3A_84 = vector.broadcast %broadcast_in_dim3A_83 : i32 to vector<1x8xi32>
    %slice3A_85 = vector.extract_strided_slice %add3A_82 {offsets = [0, 0], sizes = [1, 56], strides = [1, 1]} : vector<1x64xi32> to vector<1x56xi32>
    %concatenate3A_86 = tpu.concatenate %broadcast_in_dim3A_84, %slice3A_85 in 1 : vector<1x8xi32>, vector<1x56xi32> -> vector<1x64xi32>
    %add3A_87 = arith.addi %add3A_82, %concatenate3A_86 : vector<1x64xi32>
    %broadcast_in_dim3A_88 = arith.constant 0 : i32
    %broadcast_in_dim3A_89 = vector.broadcast %broadcast_in_dim3A_88 : i32 to vector<1x16xi32>
    %slice3A_90 = vector.extract_strided_slice %add3A_87 {offsets = [0, 0], sizes = [1, 48], strides = [1, 1]} : vector<1x64xi32> to vector<1x48xi32>
    %concatenate3A_91 = tpu.concatenate %broadcast_in_dim3A_89, %slice3A_90 in 1 : vector<1x16xi32>, vector<1x48xi32> -> vector<1x64xi32>
    %add3A_92 = arith.addi %add3A_87, %concatenate3A_91 : vector<1x64xi32>
    %broadcast_in_dim3A_93 = arith.constant 0 : i32
    %broadcast_in_dim3A_94 = vector.broadcast %broadcast_in_dim3A_93 : i32 to vector<1x32xi32>
    %slice3A_95 = vector.extract_strided_slice %add3A_92 {offsets = [0, 0], sizes = [1, 32], strides = [1, 1]} : vector<1x64xi32> to vector<1x32xi32>
    %concatenate3A_96 = tpu.concatenate %broadcast_in_dim3A_94, %slice3A_95 in 1 : vector<1x32xi32>, vector<1x32xi32> -> vector<1x64xi32>
    %add3A_97 = arith.addi %add3A_92, %concatenate3A_96 : vector<1x64xi32>
    %sub3A_98 = arith.subi %add3A_97, %slice3A_67 : vector<1x64xi32>
    %add3A_99 = vector.broadcast %sub3A_98 : vector<1x64xi32> to vector<2048x64xi32>
    %add3A_100 = arith.addi %sub3A, %add3A_99 : vector<2048x64xi32>
    %mul3A = arith.muli %convert_element_type3A_14, %add3A_100 : vector<2048x64xi32>
    %reduce_sum3A = arith.constant dense<0> : vector<2048xi32>
    %reduce_sum3A_101 = vector.multi_reduction <add>, %mul3A, %reduce_sum3A [1] : vector<2048x64xi32> to vector<2048xi32>
    %broadcast_in_dim3A_102 = vector.shape_cast %reduce_sum3A_101 : vector<2048xi32> to vector<2048x1xi32>
    %swap3A = arith.constant 0 : index
    %swap3A_103 = arith.constant 0 : index
    %swap3A_104 = vector.load %arg2[%swap3A, %swap3A_103] : memref<2048x1xi32, #tpu.memory_space<vmem>>, vector<2048x1xi32>
    tpu.vector_store %arg2[%swap3A, %swap3A_103], %broadcast_in_dim3A_102 {strides = array<i32>} : memref<2048x1xi32, #tpu.memory_space<vmem>>, vector<2048x1xi32>,
    %convert_element_type3A_105 = arith.sitofp %convert_element_type3A_14 : vector<2048x64xi32> to vector<2048x64xf32>
    %broadcast_in_dim3A_106 = arith.constant 1.000000e+00 : f32
    %broadcast_in_dim3A_107 = vector.broadcast %broadcast_in_dim3A_106 : f32 to vector<2048x1xf32>
    %dot_general3A_108 = arith.constant dense<0.000000e+00> : vector<64x1xf32>
    %dot_general3A_109 = tpu.matmul %convert_element_type3A_105, %broadcast_in_dim3A_107, %dot_general3A_108 {dimension_numbers = #tpu.dot_dimension_numbers<[0], [0], [1], [1], [0, 1, 1, 1], [], []>, transpose_lhs_hint = false} : vector<2048x64xf32>, vector<2048x1xf32>, vector<64x1xf32> -> vector<64x1xf32>
    %convert_element_type3A_110 = arith.fptosi %dot_general3A_109 : vector<64x1xf32> to vector<64x1xi32>
    %broadcast_in_dim3A_111 = arith.constant 0 : i32
    %broadcast_in_dim3A_112 = vector.broadcast %broadcast_in_dim3A_111 : i32 to vector<1x1xi32>
    %slice3A_113 = vector.extract_strided_slice %convert_element_type3A_110 {offsets = [0, 0], sizes = [63, 1], strides = [1, 1]} : vector<64x1xi32> to vector<63x1xi32>
    %concatenate3A_114 = tpu.concatenate %broadcast_in_dim3A_112, %slice3A_113 in 0 : vector<1x1xi32>, vector<63x1xi32> -> vector<64x1xi32>
    %add3A_115 = arith.addi %convert_element_type3A_110, %concatenate3A_114 : vector<64x1xi32>
    %broadcast_in_dim3A_116 = arith.constant 0 : i32
    %broadcast_in_dim3A_117 = vector.broadcast %broadcast_in_dim3A_116 : i32 to vector<2x1xi32>
    %slice3A_118 = vector.extract_strided_slice %add3A_115 {offsets = [0, 0], sizes = [62, 1], strides = [1, 1]} : vector<64x1xi32> to vector<62x1xi32>
    %concatenate3A_119 = tpu.concatenate %broadcast_in_dim3A_117, %slice3A_118 in 0 : vector<2x1xi32>, vector<62x1xi32> -> vector<64x1xi32>
    %add3A_120 = arith.addi %add3A_115, %concatenate3A_119 : vector<64x1xi32>
    %broadcast_in_dim3A_121 = arith.constant 0 : i32
    %broadcast_in_dim3A_122 = vector.broadcast %broadcast_in_dim3A_121 : i32 to vector<4x1xi32>
    %slice3A_123 = vector.extract_strided_slice %add3A_120 {offsets = [0, 0], sizes = [60, 1], strides = [1, 1]} : vector<64x1xi32> to vector<60x1xi32>
    %concatenate3A_124 = tpu.concatenate %broadcast_in_dim3A_122, %slice3A_123 in 0 : vector<4x1xi32>, vector<60x1xi32> -> vector<64x1xi32>
    %add3A_125 = arith.addi %add3A_120, %concatenate3A_124 : vector<64x1xi32>
    %broadcast_in_dim3A_126 = arith.constant 0 : i32
    %broadcast_in_dim3A_127 = vector.broadcast %broadcast_in_dim3A_126 : i32 to vector<8x1xi32>
    %slice3A_128 = vector.extract_strided_slice %add3A_125 {offsets = [0, 0], sizes = [56, 1], strides = [1, 1]} : vector<64x1xi32> to vector<56x1xi32>
    %concatenate3A_129 = tpu.concatenate %broadcast_in_dim3A_127, %slice3A_128 in 0 : vector<8x1xi32>, vector<56x1xi32> -> vector<64x1xi32>
    %add3A_130 = arith.addi %add3A_125, %concatenate3A_129 : vector<64x1xi32>
    %broadcast_in_dim3A_131 = arith.constant 0 : i32
    %broadcast_in_dim3A_132 = vector.broadcast %broadcast_in_dim3A_131 : i32 to vector<16x1xi32>
    %slice3A_133 = vector.extract_strided_slice %add3A_130 {offsets = [0, 0], sizes = [48, 1], strides = [1, 1]} : vector<64x1xi32> to vector<48x1xi32>
    %concatenate3A_134 = tpu.concatenate %broadcast_in_dim3A_132, %slice3A_133 in 0 : vector<16x1xi32>, vector<48x1xi32> -> vector<64x1xi32>
    %add3A_135 = arith.addi %add3A_130, %concatenate3A_134 : vector<64x1xi32>
    %broadcast_in_dim3A_136 = arith.constant 0 : i32
    %broadcast_in_dim3A_137 = vector.broadcast %broadcast_in_dim3A_136 : i32 to vector<32x1xi32>
    %slice3A_138 = vector.extract_strided_slice %add3A_135 {offsets = [0, 0], sizes = [32, 1], strides = [1, 1]} : vector<64x1xi32> to vector<32x1xi32>
    %concatenate3A_139 = tpu.concatenate %broadcast_in_dim3A_137, %slice3A_138 in 0 : vector<32x1xi32>, vector<32x1xi32> -> vector<64x1xi32>
    %add3A_140 = arith.addi %add3A_135, %concatenate3A_139 : vector<64x1xi32>
    %sub3A_141 = arith.subi %add3A_140, %convert_element_type3A_110 : vector<64x1xi32>
    %shift_right_arithmetic3A = arith.constant 7 : i32
    %shift_right_arithmetic3A_142 = vector.broadcast %shift_right_arithmetic3A : i32 to vector<64x1xi32>
    %shift_right_arithmetic3A_143 = arith.shrsi %sub3A_141, %shift_right_arithmetic3A_142 : vector<64x1xi32>
    %sub3A_144 = arith.constant 1 : i32
    %sub3A_145 = vector.broadcast %sub3A_144 : i32 to vector<64x1xi32>
    %sub3A_146 = arith.subi %add3A_140, %sub3A_145 : vector<64x1xi32>
    %shift_right_arithmetic3A_147 = arith.constant 7 : i32
    %shift_right_arithmetic3A_148 = vector.broadcast %shift_right_arithmetic3A_147 : i32 to vector<64x1xi32>
    %shift_right_arithmetic3A_149 = arith.shrsi %sub3A_146, %shift_right_arithmetic3A_148 : vector<64x1xi32>
    %gt3A = arith.constant 0 : i32
    %gt3A_150 = vector.broadcast %gt3A : i32 to vector<64x1xi32>
    %gt3A_151 = arith.cmpi sgt, %convert_element_type3A_110, %gt3A_150 : vector<64x1xi32>
    %sub3A_152 = arith.subi %shift_right_arithmetic3A_149, %shift_right_arithmetic3A_143 : vector<64x1xi32>
    %add3A_153 = arith.constant 1 : i32
    %add3A_154 = vector.broadcast %add3A_153 : i32 to vector<64x1xi32>
    %add3A_155 = arith.addi %sub3A_152, %add3A_154 : vector<64x1xi32>
    %jit3A_156 = arith.constant 0 : i32
    %broadcast_in_dim3A_157 = vector.broadcast %jit3A_156 : i32 to vector<64x1xi32>
    %select_n3A_158 = arith.select %gt3A_151, %add3A_155, %broadcast_in_dim3A_157 : vector<64x1xi1>, vector<64x1xi32>
    %broadcast_in_dim3A_159 = arith.constant 0 : i32
    %broadcast_in_dim3A_160 = vector.broadcast %broadcast_in_dim3A_159 : i32 to vector<1x1xi32>
    %slice3A_161 = vector.extract_strided_slice %select_n3A_158 {offsets = [0, 0], sizes = [63, 1], strides = [1, 1]} : vector<64x1xi32> to vector<63x1xi32>
    %concatenate3A_162 = tpu.concatenate %broadcast_in_dim3A_160, %slice3A_161 in 0 : vector<1x1xi32>, vector<63x1xi32> -> vector<64x1xi32>
    %add3A_163 = arith.addi %select_n3A_158, %concatenate3A_162 : vector<64x1xi32>
    %broadcast_in_dim3A_164 = arith.constant 0 : i32
    %broadcast_in_dim3A_165 = vector.broadcast %broadcast_in_dim3A_164 : i32 to vector<2x1xi32>
    %slice3A_166 = vector.extract_strided_slice %add3A_163 {offsets = [0, 0], sizes = [62, 1], strides = [1, 1]} : vector<64x1xi32> to vector<62x1xi32>
    %concatenate3A_167 = tpu.concatenate %broadcast_in_dim3A_165, %slice3A_166 in 0 : vector<2x1xi32>, vector<62x1xi32> -> vector<64x1xi32>
    %add3A_168 = arith.addi %add3A_163, %concatenate3A_167 : vector<64x1xi32>
    %broadcast_in_dim3A_169 = arith.constant 0 : i32
    %broadcast_in_dim3A_170 = vector.broadcast %broadcast_in_dim3A_169 : i32 to vector<4x1xi32>
    %slice3A_171 = vector.extract_strided_slice %add3A_168 {offsets = [0, 0], sizes = [60, 1], strides = [1, 1]} : vector<64x1xi32> to vector<60x1xi32>
    %concatenate3A_172 = tpu.concatenate %broadcast_in_dim3A_170, %slice3A_171 in 0 : vector<4x1xi32>, vector<60x1xi32> -> vector<64x1xi32>
    %add3A_173 = arith.addi %add3A_168, %concatenate3A_172 : vector<64x1xi32>
    %broadcast_in_dim3A_174 = arith.constant 0 : i32
    %broadcast_in_dim3A_175 = vector.broadcast %broadcast_in_dim3A_174 : i32 to vector<8x1xi32>
    %slice3A_176 = vector.extract_strided_slice %add3A_173 {offsets = [0, 0], sizes = [56, 1], strides = [1, 1]} : vector<64x1xi32> to vector<56x1xi32>
    %concatenate3A_177 = tpu.concatenate %broadcast_in_dim3A_175, %slice3A_176 in 0 : vector<8x1xi32>, vector<56x1xi32> -> vector<64x1xi32>
    %add3A_178 = arith.addi %add3A_173, %concatenate3A_177 : vector<64x1xi32>
    %broadcast_in_dim3A_179 = arith.constant 0 : i32
    %broadcast_in_dim3A_180 = vector.broadcast %broadcast_in_dim3A_179 : i32 to vector<16x1xi32>
    %slice3A_181 = vector.extract_strided_slice %add3A_178 {offsets = [0, 0], sizes = [48, 1], strides = [1, 1]} : vector<64x1xi32> to vector<48x1xi32>
    %concatenate3A_182 = tpu.concatenate %broadcast_in_dim3A_180, %slice3A_181 in 0 : vector<16x1xi32>, vector<48x1xi32> -> vector<64x1xi32>
    %add3A_183 = arith.addi %add3A_178, %concatenate3A_182 : vector<64x1xi32>
    %broadcast_in_dim3A_184 = arith.constant 0 : i32
    %broadcast_in_dim3A_185 = vector.broadcast %broadcast_in_dim3A_184 : i32 to vector<32x1xi32>
    %slice3A_186 = vector.extract_strided_slice %add3A_183 {offsets = [0, 0], sizes = [32, 1], strides = [1, 1]} : vector<64x1xi32> to vector<32x1xi32>
    %concatenate3A_187 = tpu.concatenate %broadcast_in_dim3A_185, %slice3A_186 in 0 : vector<32x1xi32>, vector<32x1xi32> -> vector<64x1xi32>
    %add3A_188 = arith.addi %add3A_183, %concatenate3A_187 : vector<64x1xi32>
    %sub3A_189 = arith.subi %add3A_188, %select_n3A_158 : vector<64x1xi32>
    %slice3A_190 = vector.extract_strided_slice %add3A_188 {offsets = [63, 0], sizes = [1, 1], strides = [1, 1]} : vector<64x1xi32> to vector<1x1xi32>
    %reduce_sum3A_191 = arith.constant dense<0> : vector<1xi32>
    %reduce_sum3A_192 = vector.multi_reduction <add>, %slice3A_190, %reduce_sum3A_191 [1] : vector<1x1xi32> to vector<1xi32>
    %broadcast_in_dim3A_193 = vector.shape_cast %reduce_sum3A_192 : vector<1xi32> to vector<1x1xi32>
    %iota3A_194 = tpu.iota {dimensions = array<i32: 1>} : vector<1x128xi32>
    %sub3A_195 = arith.constant 1 : i32
    %sub3A_196 = vector.broadcast %sub3A_195 : i32 to vector<1x1xi32>
    %sub3A_197 = arith.subi %broadcast_in_dim3A_193, %sub3A_196 : vector<1x1xi32>
    %min3A = vector.broadcast %sub3A_197 : vector<1x1xi32> to vector<1x128xi32>
    %min3A_198 = arith.minsi %iota3A_194, %min3A : vector<1x128xi32>
    %ge3A = vector.broadcast %min3A_198 : vector<1x128xi32> to vector<64x128xi32>
    %ge3A_199 = vector.broadcast %sub3A_189 : vector<64x1xi32> to vector<64x128xi32>
    %ge3A_200 = arith.cmpi sge, %ge3A, %ge3A_199 : vector<64x128xi32>
    %add3A_201 = arith.addi %sub3A_189, %select_n3A_158 : vector<64x1xi32>
    %lt3A = vector.broadcast %min3A_198 : vector<1x128xi32> to vector<64x128xi32>
    %lt3A_202 = vector.broadcast %add3A_201 : vector<64x1xi32> to vector<64x128xi32>
    %lt3A_203 = arith.cmpi slt, %lt3A, %lt3A_202 : vector<64x128xi32>
    %and3A = arith.andi %ge3A_200, %lt3A_203 : vector<64x128xi1>
    %iota3A_204 = tpu.iota {dimensions = array<i32: 0>} : vector<64x1xi32>
    %broadcast_in_dim3A_205 = arith.constant 0 : i32
    %broadcast_in_dim3A_206 = vector.broadcast %broadcast_in_dim3A_205 : i32 to vector<64x128xi32>
    %add3A_207 = vector.broadcast %iota3A_204 : vector<64x1xi32> to vector<64x128xi32>
    %add3A_208 = arith.addi %add3A_207, %broadcast_in_dim3A_206 : vector<64x128xi32>
    %jit3A_209 = arith.constant 0 : i32
    %broadcast_in_dim3A_210 = vector.broadcast %jit3A_209 : i32 to vector<64x128xi32>
    %select_n3A_211 = arith.select %and3A, %add3A_208, %broadcast_in_dim3A_210 : vector<64x128xi1>, vector<64x128xi32>
    %reduce_sum3A_212 = arith.constant dense<0> : vector<128xi32>
    %reduce_sum3A_213 = vector.multi_reduction <add>, %select_n3A_211, %reduce_sum3A_212 [0] : vector<64x128xi32> to vector<128xi32>
    %broadcast_in_dim3A_214 = vector.shape_cast %reduce_sum3A_213 : vector<128xi32> to vector<1x128xi32>
    %sub3A_215 = vector.broadcast %min3A_198 : vector<1x128xi32> to vector<64x128xi32>
    %sub3A_216 = vector.broadcast %sub3A_189 : vector<64x1xi32> to vector<64x128xi32>
    %sub3A_217 = arith.subi %sub3A_215, %sub3A_216 : vector<64x128xi32>
    %add3A_218 = vector.broadcast %shift_right_arithmetic3A_143 : vector<64x1xi32> to vector<64x128xi32>
    %add3A_219 = arith.addi %add3A_218, %sub3A_217 : vector<64x128xi32>
    %jit3A_220 = arith.constant 0 : i32
    %broadcast_in_dim3A_221 = vector.broadcast %jit3A_220 : i32 to vector<64x128xi32>
    %select_n3A_222 = arith.select %and3A, %add3A_219, %broadcast_in_dim3A_221 : vector<64x128xi1>, vector<64x128xi32>
    %reduce_sum3A_223 = arith.constant dense<0> : vector<128xi32>
    %reduce_sum3A_224 = vector.multi_reduction <add>, %select_n3A_222, %reduce_sum3A_223 [0] : vector<64x128xi32> to vector<128xi32>
    %broadcast_in_dim3A_225 = vector.shape_cast %reduce_sum3A_224 : vector<128xi32> to vector<1x128xi32>
    %lt3A_226 = vector.broadcast %broadcast_in_dim3A_193 : vector<1x1xi32> to vector<1x128xi32>
    %lt3A_227 = arith.cmpi slt, %iota3A_194, %lt3A_226 : vector<1x128xi32>
    %add3A_228 = vector.broadcast %sub3A_141 : vector<64x1xi32> to vector<64x128xi32>
    %add3A_229 = arith.addi %add3A_228, %broadcast_in_dim3A_206 : vector<64x128xi32>
    %jit3A_230 = arith.constant 0 : i32
    %broadcast_in_dim3A_231 = vector.broadcast %jit3A_230 : i32 to vector<64x128xi32>
    %select_n3A_232 = arith.select %and3A, %add3A_229, %broadcast_in_dim3A_231 : vector<64x128xi1>, vector<64x128xi32>
    %reduce_sum3A_233 = arith.constant dense<0> : vector<128xi32>
    %reduce_sum3A_234 = vector.multi_reduction <add>, %select_n3A_232, %reduce_sum3A_233 [0] : vector<64x128xi32> to vector<128xi32>
    %broadcast_in_dim3A_235 = vector.shape_cast %reduce_sum3A_234 : vector<128xi32> to vector<1x128xi32>
    %jit3A_236 = arith.constant 0 : i32
    %broadcast_in_dim3A_237 = vector.broadcast %jit3A_236 : i32 to vector<1x128xi32>
    %select_n3A_238 = arith.select %lt3A_227, %broadcast_in_dim3A_235, %broadcast_in_dim3A_237 : vector<1x128xi1>, vector<1x128xi32>
    %add3A_239 = vector.broadcast %add3A_140 : vector<64x1xi32> to vector<64x128xi32>
    %add3A_240 = arith.addi %add3A_239, %broadcast_in_dim3A_206 : vector<64x128xi32>
    %jit3A_241 = arith.constant 0 : i32
    %broadcast_in_dim3A_242 = vector.broadcast %jit3A_241 : i32 to vector<64x128xi32>
    %select_n3A_243 = arith.select %and3A, %add3A_240, %broadcast_in_dim3A_242 : vector<64x128xi1>, vector<64x128xi32>
    %reduce_sum3A_244 = arith.constant dense<0> : vector<128xi32>
    %reduce_sum3A_245 = vector.multi_reduction <add>, %select_n3A_243, %reduce_sum3A_244 [0] : vector<64x128xi32> to vector<128xi32>
    %broadcast_in_dim3A_246 = vector.shape_cast %reduce_sum3A_245 : vector<128xi32> to vector<1x128xi32>
    %jit3A_247 = arith.constant 0 : i32
    %broadcast_in_dim3A_248 = vector.broadcast %jit3A_247 : i32 to vector<1x128xi32>
    %select_n3A_249 = arith.select %lt3A_227, %broadcast_in_dim3A_246, %broadcast_in_dim3A_248 : vector<1x128xi1>, vector<1x128xi32>
    %slice3A_250 = vector.extract_strided_slice %broadcast_in_dim3A_225 {offsets = [0, 0], sizes = [1, 1], strides = [1, 1]} : vector<1x128xi32> to vector<1x1xi32>
    %slice3A_251 = vector.extract_strided_slice %broadcast_in_dim3A_225 {offsets = [0, 0], sizes = [1, 127], strides = [1, 1]} : vector<1x128xi32> to vector<1x127xi32>
    %concatenate3A_252 = tpu.concatenate %slice3A_250, %slice3A_251 in 1 : vector<1x1xi32>, vector<1x127xi32> -> vector<1x128xi32>
    %eq3A_253 = arith.constant 0 : i32
    %eq3A_254 = vector.broadcast %eq3A_253 : i32 to vector<1x128xi32>
    %eq3A_255 = arith.cmpi eq, %iota3A_194, %eq3A_254 : vector<1x128xi32>
    %ne3A = arith.cmpi ne, %broadcast_in_dim3A_225, %concatenate3A_252 : vector<1x128xi32>
    %or3A = arith.ori %eq3A_255, %ne3A : vector<1x128xi1>
    %convert_element_type3A_256 = arith.extui %or3A : vector<1x128xi1> to vector<1x128xi32>
    %broadcast_in_dim3A_257 = arith.constant 0 : i32
    %broadcast_in_dim3A_258 = vector.broadcast %broadcast_in_dim3A_257 : i32 to vector<3x128xi32>
    %concatenate3A_259 = tpu.concatenate %broadcast_in_dim3A_214, %broadcast_in_dim3A_225, %convert_element_type3A_256, %select_n3A_238, %select_n3A_249, %broadcast_in_dim3A_258 in 0 : vector<1x128xi32>, vector<1x128xi32>, vector<1x128xi32>, vector<1x128xi32>, vector<1x128xi32>, vector<3x128xi32> -> vector<8x128xi32>
    %swap3A_260 = arith.constant 0 : index
    %swap3A_261 = arith.constant 0 : index
    %swap3A_262 = vector.load %arg3[%swap3A_260, %swap3A_261] : memref<8x128xi32, #tpu.memory_space<vmem>>, vector<8x128xi32>
    tpu.vector_store %arg3[%swap3A_260, %swap3A_261], %concatenate3A_259 {strides = array<i32>} : memref<8x128xi32, #tpu.memory_space<vmem>>, vector<8x128xi32>,
    return
  }
}

module attributes {stable_mosaic.version = 14 : i64} {
  func.func @_ffn_body(%arg0: i32, %arg1: memref<8x128xi32, #tpu.memory_space<smem>>, %arg2: memref<128x768xf32, #tpu.memory_space<vmem>>, %arg3: memref<1x768x512xf32, #tpu.memory_space<vmem>>, %arg4: memref<1x768x512xf32, #tpu.memory_space<vmem>>, %arg5: memref<1x512x768xf32, #tpu.memory_space<vmem>>, %arg6: memref<128x768xf32, #tpu.memory_space<vmem>>) attributes {dimension_semantics = [#tpu.dimension_semantics<arbitrary>], iteration_bounds = array<i64: 80>, scalar_prefetch = 1 : i64, scratch_operands = 0 : i64, tpu.core_type = #tpu.core_type<tc>, window_params = [{transform_indices = @transform_0, window_bounds = array<i64: 128, 768>}, {transform_indices = @transform_1, window_bounds = array<i64: 1, 768, 512>}, {transform_indices = @transform_2, window_bounds = array<i64: 1, 768, 512>}, {transform_indices = @transform_3, window_bounds = array<i64: 1, 512, 768>}, {transform_indices = @transform_4, window_bounds = array<i64: 128, 768>}]} {
    %get3A = arith.constant 0 : index
    %get3A_0 = arith.constant 0 : index
    %get3A_1 = vector.load %arg2[%get3A, %get3A_0] : memref<128x768xf32, #tpu.memory_space<vmem>>, vector<128x768xf32>
    %convert_element_type3A = arith.truncf %get3A_1 : vector<128x768xf32> to vector<128x768xbf16>
    %get3A_2 = arith.constant 0 : index
    %get3A_3 = arith.constant 0 : index
    %get3A_4 = arith.constant 0 : index
    %get3A_5 = vector.load %arg3[%get3A_2, %get3A_3, %get3A_4] : memref<1x768x512xf32, #tpu.memory_space<vmem>>, vector<1x768x512xf32>
    %get3A_6 = vector.shape_cast %get3A_5 : vector<1x768x512xf32> to vector<768x512xf32>
    %convert_element_type3A_7 = arith.truncf %get3A_6 : vector<768x512xf32> to vector<768x512xbf16>
    %get3A_8 = arith.constant 0 : index
    %get3A_9 = arith.constant 0 : index
    %get3A_10 = arith.constant 0 : index
    %get3A_11 = vector.load %arg4[%get3A_8, %get3A_9, %get3A_10] : memref<1x768x512xf32, #tpu.memory_space<vmem>>, vector<1x768x512xf32>
    %get3A_12 = vector.shape_cast %get3A_11 : vector<1x768x512xf32> to vector<768x512xf32>
    %convert_element_type3A_13 = arith.truncf %get3A_12 : vector<768x512xf32> to vector<768x512xbf16>
    %get3A_14 = arith.constant 0 : index
    %get3A_15 = arith.constant 0 : index
    %get3A_16 = arith.constant 0 : index
    %get3A_17 = vector.load %arg5[%get3A_14, %get3A_15, %get3A_16] : memref<1x512x768xf32, #tpu.memory_space<vmem>>, vector<1x512x768xf32>
    %get3A_18 = vector.shape_cast %get3A_17 : vector<1x512x768xf32> to vector<512x768xf32>
    %convert_element_type3A_19 = arith.truncf %get3A_18 : vector<512x768xf32> to vector<512x768xbf16>
    %dot_general3A = arith.constant dense<0.000000e+00> : vector<128x512xf32>
    %dot_general3A_20 = tpu.matmul %convert_element_type3A, %convert_element_type3A_7, %dot_general3A {dimension_numbers = #tpu.dot_dimension_numbers<[1], [0], [0], [1], [0, 0, 1, 1], [], []>, transpose_lhs_hint = false} : vector<128x768xbf16>, vector<768x512xbf16>, vector<128x512xf32> -> vector<128x512xf32>
    %dot_general3A_21 = arith.constant dense<0.000000e+00> : vector<128x512xf32>
    %dot_general3A_22 = tpu.matmul %convert_element_type3A, %convert_element_type3A_13, %dot_general3A_21 {dimension_numbers = #tpu.dot_dimension_numbers<[1], [0], [0], [1], [0, 0, 1, 1], [], []>, transpose_lhs_hint = false} : vector<128x768xbf16>, vector<768x512xbf16>, vector<128x512xf32> -> vector<128x512xf32>
    %logistic3A = arith.negf %dot_general3A_20 : vector<128x512xf32>
    %logistic3A_23 = math.exp %logistic3A : vector<128x512xf32>
    %logistic3A_24 = arith.constant 1.000000e+00 : f32
    %logistic3A_25 = vector.broadcast %logistic3A_24 : f32 to vector<128x512xf32>
    %logistic3A_26 = arith.addf %logistic3A_25, %logistic3A_23 : vector<128x512xf32>
    %logistic3A_27 = arith.divf %logistic3A_25, %logistic3A_26 : vector<128x512xf32>
    %mul3A = arith.mulf %dot_general3A_20, %logistic3A_27 : vector<128x512xf32>
    %mul3A_28 = arith.mulf %mul3A, %dot_general3A_22 : vector<128x512xf32>
    %convert_element_type3A_29 = arith.truncf %mul3A_28 : vector<128x512xf32> to vector<128x512xbf16>
    %dot_general3A_30 = arith.constant dense<0.000000e+00> : vector<128x768xf32>
    %dot_general3A_31 = tpu.matmul %convert_element_type3A_29, %convert_element_type3A_19, %dot_general3A_30 {dimension_numbers = #tpu.dot_dimension_numbers<[1], [0], [0], [1], [0, 0, 1, 1], [], []>, transpose_lhs_hint = false} : vector<128x512xbf16>, vector<512x768xbf16>, vector<128x768xf32> -> vector<128x768xf32>
    %get3A_32 = arith.constant 1 : index
    %get3A_33 = arith.index_cast %arg0 : i32 to index
    %get3A_34 = memref.load %arg1[%get3A_32, %get3A_33] : memref<8x128xi32, #tpu.memory_space<smem>>
    %mul3A_35 = arith.constant 128 : i32
    %mul3A_36 = arith.muli %get3A_34, %mul3A_35 : i32
    %iota3A = tpu.iota {dimensions = array<i32: 0>} : vector<128x1xi32>
    %add3A = vector.broadcast %mul3A_36 : i32 to vector<128x1xi32>
    %add3A_37 = arith.addi %add3A, %iota3A : vector<128x1xi32>
    %get3A_38 = arith.constant 3 : index
    %get3A_39 = arith.index_cast %arg0 : i32 to index
    %get3A_40 = memref.load %arg1[%get3A_38, %get3A_39] : memref<8x128xi32, #tpu.memory_space<smem>>
    %ge3A = vector.broadcast %get3A_40 : i32 to vector<128x1xi32>
    %ge3A_41 = arith.cmpi sge, %add3A_37, %ge3A : vector<128x1xi32>
    %get3A_42 = arith.constant 4 : index
    %get3A_43 = arith.index_cast %arg0 : i32 to index
    %get3A_44 = memref.load %arg1[%get3A_42, %get3A_43] : memref<8x128xi32, #tpu.memory_space<smem>>
    %lt3A = vector.broadcast %get3A_44 : i32 to vector<128x1xi32>
    %lt3A_45 = arith.cmpi slt, %add3A_37, %lt3A : vector<128x1xi32>
    %and3A = arith.andi %ge3A_41, %lt3A_45 : vector<128x1xi1>
    %jit3A = arith.constant 0.000000e+00 : f32
    %broadcast_in_dim3A = vector.shape_cast %and3A : vector<128x1xi1> to vector<128x1xi1>
    %broadcast_in_dim3A_46 = vector.broadcast %broadcast_in_dim3A : vector<128x1xi1> to vector<128x768xi1>
    %broadcast_in_dim3A_47 = vector.broadcast %jit3A : f32 to vector<128x768xf32>
    %select_n3A = arith.select %broadcast_in_dim3A_46, %dot_general3A_31, %broadcast_in_dim3A_47 : vector<128x768xi1>, vector<128x768xf32>
    %get3A_48 = arith.constant 2 : index
    %get3A_49 = arith.index_cast %arg0 : i32 to index
    %get3A_50 = memref.load %arg1[%get3A_48, %get3A_49] : memref<8x128xi32, #tpu.memory_space<smem>>
    %eq3A = arith.constant 1 : i32
    %eq3A_51 = arith.cmpi eq, %get3A_50, %eq3A : i32
    %convert_element_type3A_52 = arith.extui %eq3A_51 : i1 to i32
    %cond3A = arith.constant 0 : i32
    %cond3A_53 = arith.cmpi ne, %convert_element_type3A_52, %cond3A : i32
    scf.if %cond3A_53 {
      %swap3A = arith.constant 0 : index
      %swap3A_62 = arith.constant 0 : index
      %swap3A_63 = vector.load %arg6[%swap3A, %swap3A_62] : memref<128x768xf32, #tpu.memory_space<vmem>>, vector<128x768xf32>
      tpu.vector_store %arg6[%swap3A, %swap3A_62], %select_n3A {strides = array<i32>} : memref<128x768xf32, #tpu.memory_space<vmem>>, vector<128x768xf32>,
    } else {
    }
    %get3A_54 = arith.constant 2 : index
    %get3A_55 = arith.index_cast %arg0 : i32 to index
    %get3A_56 = memref.load %arg1[%get3A_54, %get3A_55] : memref<8x128xi32, #tpu.memory_space<smem>>
    %eq3A_57 = arith.constant 0 : i32
    %eq3A_58 = arith.cmpi eq, %get3A_56, %eq3A_57 : i32
    %convert_element_type3A_59 = arith.extui %eq3A_58 : i1 to i32
    %cond3A_60 = arith.constant 0 : i32
    %cond3A_61 = arith.cmpi ne, %convert_element_type3A_59, %cond3A_60 : i32
    scf.if %cond3A_61 {
      %get3A_62 = arith.constant 0 : index
      %get3A_63 = arith.constant 0 : index
      %get3A_64 = vector.load %arg6[%get3A_62, %get3A_63] : memref<128x768xf32, #tpu.memory_space<vmem>>, vector<128x768xf32>
      %add3A_65 = arith.addf %get3A_64, %select_n3A : vector<128x768xf32>
      %swap3A = arith.constant 0 : index
      %swap3A_66 = arith.constant 0 : index
      %swap3A_67 = vector.load %arg6[%swap3A, %swap3A_66] : memref<128x768xf32, #tpu.memory_space<vmem>>, vector<128x768xf32>
      tpu.vector_store %arg6[%swap3A, %swap3A_66], %add3A_65 {strides = array<i32>} : memref<128x768xf32, #tpu.memory_space<vmem>>, vector<128x768xf32>,
    } else {
    }
    return
  }
  func.func @transform_0(%arg0: i32, %arg1: memref<8x128xi32, #tpu.memory_space<smem>>) -> (i32, i32) {
    %get3A = arith.constant 1 : index
    %get3A_0 = arith.index_cast %arg0 : i32 to index
    %get3A_1 = memref.load %arg1[%get3A, %get3A_0] : memref<8x128xi32, #tpu.memory_space<smem>>
    %c0_i32 = arith.constant 0 : i32
    %c0_i32_2 = arith.constant 0 : i32
    return %get3A_1, %c0_i32 : i32, i32
  }
  func.func @transform_1(%arg0: i32, %arg1: memref<8x128xi32, #tpu.memory_space<smem>>) -> (i32, i32, i32) {
    %get3A = arith.constant 0 : index
    %get3A_0 = arith.index_cast %arg0 : i32 to index
    %get3A_1 = memref.load %arg1[%get3A, %get3A_0] : memref<8x128xi32, #tpu.memory_space<smem>>
    %c0_i32 = arith.constant 0 : i32
    %c0_i32_2 = arith.constant 0 : i32
    %c0_i32_3 = arith.constant 0 : i32
    return %get3A_1, %c0_i32, %c0_i32_2 : i32, i32, i32
  }
  func.func @transform_2(%arg0: i32, %arg1: memref<8x128xi32, #tpu.memory_space<smem>>) -> (i32, i32, i32) {
    %get3A = arith.constant 0 : index
    %get3A_0 = arith.index_cast %arg0 : i32 to index
    %get3A_1 = memref.load %arg1[%get3A, %get3A_0] : memref<8x128xi32, #tpu.memory_space<smem>>
    %c0_i32 = arith.constant 0 : i32
    %c0_i32_2 = arith.constant 0 : i32
    %c0_i32_3 = arith.constant 0 : i32
    return %get3A_1, %c0_i32, %c0_i32_2 : i32, i32, i32
  }
  func.func @transform_3(%arg0: i32, %arg1: memref<8x128xi32, #tpu.memory_space<smem>>) -> (i32, i32, i32) {
    %get3A = arith.constant 0 : index
    %get3A_0 = arith.index_cast %arg0 : i32 to index
    %get3A_1 = memref.load %arg1[%get3A, %get3A_0] : memref<8x128xi32, #tpu.memory_space<smem>>
    %c0_i32 = arith.constant 0 : i32
    %c0_i32_2 = arith.constant 0 : i32
    %c0_i32_3 = arith.constant 0 : i32
    return %get3A_1, %c0_i32, %c0_i32_2 : i32, i32, i32
  }
  func.func @transform_4(%arg0: i32, %arg1: memref<8x128xi32, #tpu.memory_space<smem>>) -> (i32, i32) {
    %get3A = arith.constant 1 : index
    %get3A_0 = arith.index_cast %arg0 : i32 to index
    %get3A_1 = memref.load %arg1[%get3A, %get3A_0] : memref<8x128xi32, #tpu.memory_space<smem>>
    %c0_i32 = arith.constant 0 : i32
    %c0_i32_2 = arith.constant 0 : i32
    return %get3A_1, %c0_i32 : i32, i32
  }
}

</mosaic_0001>

<sc_bundles>
// kernel: kernel.6.cloned.1.call-start
scs
__scs_entry_jumppad:
0x0: {  	(pc) =	sbr.rel $0x88, $3  }
0x1: {  	(tag) =	ssettag $0x0;
	lr =	simm.s32 $0x1  }
0x2: {  	[smem:$0x3F9C] =	sst lr;
	_ =	strace $0xD0000000  }
0x3: {  	_ = 	snop  }
0x4: {  	_ = 	snop  }
0x5: {  	_ = 	snop  }
0x6: {  	_ = 	snop  }
0x7: {  	_ = 	snop  }
__scs_overlays_trampoline_lowered:
0x8: {  	[smem:$0x3FAB] =	sst s0  }
0x9: {  	[smem:$0x3FAC] =	sst s1  }
0xa: {  	[smem:$0x3FAD] =	sst s2  }
0xb: {  	[smem:$0x3FAE] =	sst s3  }
0xc: {  	[smem:$0x3FAF] =	sst s4  }
0xd: {  	[smem:$0x3FB0] =	sst s5  }
0xe: {  	[smem:$0x3FB1] =	sst s6  }
0xf: {  	[smem:$0x3FB2] =	sst s7  }
0x10: {  	[smem:$0x3FB3] =	sst s8  }
0x11: {  	[smem:$0x3FB4] =	sst s9;
	s0 =	simm.s32 @!p0 $0x0  }
0x12: {  	s1 =	sld [smem:$0x3F9A];
	s0 =	simm.s32 @p0 $0x1  }
0x13: {  	[smem:$0x3FB5] =	sst s0;
	s0 =	simm.s32 @!p1 $0x0  }
0x14: {  	s2 =	sld [smem:$0x3F99];
	s0 =	simm.s32 @p1 $0x1  }
0x15: {  	[smem:$0x3FB6] =	sst s0;
	s0 =	simm.s32 @!p2 $0x0  }
0x16: {  	s3 =	sld [smem:$0x3FDB];
	s0 =	simm.s32 @p2 $0x1  }
0x17: {  	s4 =	simm.s32 $0x1BF5;
	[smem:$0x3FB8] =	sst s0  }
0x18: {  	s0 =	sld [smem:$0x3F9B];
	_ =	swait.ge [sflag:s4], $0x0  }
0x19: {  	s7 =	sld [smem:$0x3F9C]  }
0x1a: {  	s8 =	sadd.s32 $0xFFFFE003, lr  }
0x1b: {  	s9 =	sadd.s32 $0xFFFFFEF7, lr;
	s5 =	simm.s32 $0xFFFFFFFF;
	p2 =	slt.u32 s8, $0xFFFFF086  }
0x1c: {  	p1 =	slt.u32 s9, $0xF7A;
	s5 =	simm.s32 @!p2 $0x0  }
0x1d: {  	s5 =	simm.s32 @p1 $0x1;
	p0 =	seq.s32 s7, s2  }
0x1e: {  	s7 =	smul.u32 @!p0 $0xF7A, s2;
	p2 =	seq.s32 @!p0 s5, $0x0  }
0x1f: {  	s9 =	smul.u32 $0xF7A, s1;
	s8 =	simm.s32 @!p0 $0x1BF5;
	p2 =	por !p2, p0  }
0x20: {  	[sflag:s8] =	ssyncset.s32 @!p0 $0xFFFFF086;
	s6 =	sadd.s32 @!p0 s3, s7;
	s7 =	simm.s32 @!p0 $0x108  }
0x21: {  	s3 =	sadd.s32 s3, s9;
	s6 =	sadd.s32 @!p0 $0x88, s6;
	s7 =	simm.s32 @p2 $0x1082  }
0x22: {  	[simem:s7], [sflag:s8] =	dma.local @!p0 [hbm:s6], $0xF7A  }
0x23: {  	s9 =	sor.u32 $0xD0000000, s2;
	s6 =	simm.s32 $0x108;
	_ =	swait.ge @!p0 [sflag:s8], $0x0  }
0x24: {  	s3 =	sadd.s32 $0x88, s3;
	s6 =	simm.s32 @!p1 $0x1082;
	[sflag:s4] =	ssyncset.s32 $0xFFFFF086  }
0x25: {  	[simem:s6], [sflag:s4] =	dma.local [hbm:s3], $0xF7A  }
0x26: {  	[smem:$0x3F9C] =	sst s1;
	(tag) =	ssettag s2;
	_ =	strace s9  }
0x27: {  	s1 =	sld [smem:$0x3FAC]  }
0x28: {  	s2 =	sld [smem:$0x3FAD]  }
0x29: {  	s4 =	sld [smem:$0x3FAF]  }
0x2a: {  	p0 =	seq.s32 s5, $0x0;
	s5 =	sld [smem:$0x3FB0]  }
0x2b: {  	s6 =	sld [smem:$0x3FB1]  }
0x2c: {  	s7 =	sld [smem:$0x3FB2]  }
0x2d: {  	s3 =	simm.s32 $0x108;
	s8 =	sld [smem:$0x3FB3]  }
0x2e: {  	s3 =	simm.s32 @!p0 $0x1082;
	s9 =	sld [smem:$0x3FB4]  }
0x2f: {  	lr =	sadd.s32 s0, s3;
	s0 =	sld [smem:$0x3FAB]  }
0x30: {  	s3 =	sld [smem:$0x3FAE]  }
0x31: {  	[smem:$0x3FB7] =	sst s10  }
0x32: {  	s10 =	sld [smem:$0x3FB5];
	_ =	sdelay $0x3  }
0x33: {  	p0 =	seq.s32 s10, $0x1;
	s10 =	sld [smem:$0x3FB7];
	_ =	sdelay $0x3  }
0x34: {  	[smem:$0x3FB7] =	sst s10  }
0x35: {  	s10 =	sld [smem:$0x3FB6];
	_ =	sdelay $0x3  }
0x36: {  	p1 =	seq.s32 s10, $0x1;
	s10 =	sld [smem:$0x3FB7];
	_ =	sdelay $0x3  }
0x37: {  	[smem:$0x3FB7] =	sst s10  }
0x38: {  	s10 =	sld [smem:$0x3FB8]  }
0x39: {  	_ = 	snop;
	(pc) =	sbr.ind lr, $3  }
0x3a: {  	_ = 	snop  }
0x3b: {  	_ = 	snop  }
0x3c: {  	p2 =	seq.s32 s10, $0x1;
	s10 =	sld [smem:$0x3FB7]  }
0x3d: {  	_ =	shalt  }
0x3e: {  	_ =	shalt  }
0x3f: {  	_ =	shalt  }
0x40: {  	_ =	shalt  }
0x41: {  	_ =	shalt  }
0x42: {  	_ =	shalt  }
0x43: {  	_ =	shalt  }
0x44: {  	_ =	shalt  }
0x45: {  	_ =	shalt  }
0x46: {  	_ =	shalt  }
0x47: {  	_ =	shalt  }
0x48: {  	_ =	shalt  }
0x49: {  	_ =	shalt  }
0x4a: {  	_ =	shalt  }
0x4b: {  	_ =	shalt  }
0x4c: {  	_ =	shalt  }
0x4d: {  	_ =	shalt  }
0x4e: {  	_ =	shalt  }
0x4f: {  	_ =	shalt  }
0x50: {  	_ =	shalt  }
0x51: {  	_ =	shalt  }
0x52: {  	_ =	shalt  }
0x53: {  	_ =	shalt  }
0x54: {  	_ =	shalt  }
0x55: {  	_ =	shalt  }
0x56: {  	_ =	shalt  }
0x57: {  	_ =	shalt  }
0x58: {  	_ =	shalt  }
0x59: {  	_ =	shalt  }
0x5a: {  	_ =	shalt  }
0x5b: {  	_ =	shalt  }
0x5c: {  	_ =	shalt  }
0x5d: {  	_ =	shalt  }
0x5e: {  	_ =	shalt  }
0x5f: {  	_ =	shalt  }
0x60: {  	_ =	shalt  }
0x61: {  	_ =	shalt  }
0x62: {  	_ =	shalt  }
0x63: {  	_ =	shalt  }
0x64: {  	_ =	shalt  }
0x65: {  	_ =	shalt  }
0x66: {  	_ =	shalt  }
0x67: {  	_ =	shalt  }
0x68: {  	_ =	shalt  }
0x69: {  	_ =	shalt  }
0x6a: {  	_ =	shalt  }
0x6b: {  	_ =	shalt  }
0x6c: {  	_ =	shalt  }
0x6d: {  	_ =	shalt  }
0x6e: {  	_ =	shalt  }
0x6f: {  	_ =	shalt  }
0x70: {  	_ =	shalt  }
0x71: {  	_ =	shalt  }
0x72: {  	_ =	shalt  }
0x73: {  	_ =	shalt  }
0x74: {  	_ =	shalt  }
0x75: {  	_ =	shalt  }
0x76: {  	_ =	shalt  }
0x77: {  	_ =	shalt  }
0x78: {  	_ =	shalt  }
0x79: {  	_ =	shalt  }
0x7a: {  	_ =	shalt  }
0x7b: {  	_ =	shalt  }
0x7c: {  	_ =	shalt  }
0x7d: {  	_ =	shalt  }
0x7e: {  	_ =	shalt  }
0x7f: {  	_ =	shalt  }
0x80: {  	_ =	shalt  }
0x81: {  	_ =	shalt  }
0x82: {  	_ =	shalt  }
0x83: {  	_ =	shalt  }
0x84: {  	_ =	shalt  }
0x85: {  	_ =	shalt  }
0x86: {  	_ =	shalt  }
0x87: {  	_ =	shalt  }
.Lfunc_end0:
.L_simem_size_0:
called_computation_lowered:
.L_overlay_start_0:
0x88: {  	s2 =	sld [smem:$0x3FD9]  }
0x89: {  	s3 =	sld [smem:$0x3FFE];
	_ =	sdelay $0x1  }
0x8a: {  	s1 =	srdreg.scid  }
0x8b: {  	s0 =	sand.u32 $0x1, s1  }
0x8c: {  	s17 =	sshll.u32 s0, $0xA;
	s2 =	sadd.s32 s3, s2  }
0x8d: {  	s2 =	sadd.s32 s2, s17  }
0x8e: {  	[smem:$0x3FC3] =	sst s2  }
0x8f: {  	_ = 	snop  }
0x90: {  	s2 =	sld [smem:$0x3FC9]  }
0x91: {  	s18 =	sld [smem:$0x3FD0];
	(tm) =	ssettm $0x1  }
0x92: {  	s4 =	sld [smem:$0x3FFB];
	_ =	sdelay $0x3  }
0x93: {  	_ =	strace s4  }
0x94: {  	s4 =	sld [smem:$0x3FFC];
	_ =	sdelay $0x3  }
0x95: {  	_ =	strace s4  }
0x96: {  	s4 =	sld [smem:$0x3FFD];
	_ =	sdelay $0x3  }
0x97: {  	_ =	strace s4  }
0x98: {  	_ =	strace $0x8FFFFFFF  }
0x99: {  	s19 =	sld [smem:$0x3FDB];
	_ =	sdelay $0x1  }
0x9a: {  	s5 =	simm.s32 $_scs_section_size  }
0x9b: {  	s6 =	simm.s32 $_size__tile_overlayer_lowered;
	s7 =	simm.s32 $_tile_overlayer_lowered  }
0x9c: {  	s22 =	simm.s32 $0x1BFF;
	s21 =	sshll.u32 s7, $0x1;
	s4 =	sadd.s32 s5, s19  }
0x9d: {  	s8 =	simm.s32 $0x0;
	s20 =	sshll.u32 s6, $0x1;
	s6 =	sadd.s32 s21, s4  }
0x9e: {  	[timem:s8], [sflag:s22] =	dma.local [hbm:s6], s20  }
0x9f: {  	_ =	swait.ge [sflag:s22], s20  }
0xa0: {  	s5 =	ssub.s32 $0x0, s20;
	[sflag:s22] =	ssyncset.done $0x0  }
0xa1: {  	[sflag:s22] =	ssyncadd.s32 s5;
	_ =	sdelay $0x1  }
0xa2: {  	s23 =	simm.s32 $0x1B8B  }
0xa3: {  	_ =	swait.ge [sflag:s23], $0x1  }
0xa4: {  	[sflag:s23] =	ssyncset.done $0x0  }
0xa5: {  	s25 =	simm.s32 $0x1B8E;
	s24 =	sld [smem:$0x3FFE];
	[sflag:s23] =	ssyncadd.s32 $0xFFFFFFFF  }
0xa6: {  	s26 =	simm.s32 $execute0_lowered;
	[smem:$0x3FD2] =	sst s25  }
0xa7: {  	s6 =	sshll.u32 s26, $0x1;
	_ =	strace $0x80000046;
	[dreg:$0x1] =	wrdreg $0xFFFFFFFF  }
0xa8: {  	s28 =	simm.s32 $_size_execute0_lowered;
	s4 =	sadd.s32 s4, s6;
	[dreg:$0x0] =	wrdreg $0x0  }
0xa9: {  	s6 =	sshll.u32 s28, $0x1;
	[dreg:$0x2] =	wrdreg s4  }
0xaa: {  	[dreg:$0x3] =	wrdreg s6  }
0xab: {  	[dreg:$0x4] =	wrdreg $0xC0  }
0xac: {  	_ =	task [dreg:s8], $0x5FFFF  }
0xad: {  	[dreg:$0x1] =	wrdreg $0xFFFFFFFF  }
0xae: {  	[dreg:$0x0] =	wrdreg $0x60  }
0xaf: {  	[dreg:$0x2] =	wrdreg s2  }
0xb0: {  	[dreg:$0x3] =	wrdreg s24  }
0xb1: {  	[dreg:$0x4] =	wrdreg s18  }
0xb2: {  	[dreg:$0x5] =	wrdreg $0x9  }
0xb3: {  	_ =	task.clear_ibuf [dreg:s8], $0x6FFFF;
	_ =	strace $0x90000046  }
0xb4: {  	s29 =	simm.s32 $0x9;
	_ =	strace $0x80000048  }
0xb5: {  	_ =	swait.ge [sflag:s29], $0x1  }
0xb6: {  	[sflag:s29] =	ssyncadd.s32 $0xFFFFFFFF  }
0xb7: {  	_ =	strace $0x90000048  }
0xb8: {  	_ =	sfence  }
0xb9: {  	s30 =	sld [smem:$0x0];
	_ =	sdelay $0x2  }
0xba: {  	s31 =	sshll.u32 s1, $0xD;
	s1 =	sshrl.u32 s1, $0x2  }
0xbb: {  	s3 =	sand.u32 $0x4000, s31;
	s1 =	sadd.s32 s1, s30  }
0xbc: {  	s0 =	sor.u32 s3, s0;
	s1 =	sshll.u32 s1, $0x11  }
0xbd: {  	s0 =	sor.u32 s1, s0  }
0xbe: {  	s0 =	sadd.s32 $0x8F2B, s0  }
0xbf: {  	[sflag:s0] =	ssyncadd.remote.s32 $0x1  }
0xc0: {  	_ =	sfence.sel $0xFFFF  }
0xc1: {  	[dreg:$0x0] =	wrdreg $0xFFFFFFFF;
	(pc) =	sbr.abs _section_cstart, $3  }
0xc2: {  	[dreg:$0x1] =	wrdreg $0xFFFFFFFF  }
0xc3: {  	_ =	task.clear_ibuf [dreg:s8], $0x2FFFF;
	_ =	strace $0x9FFFFFFF  }
0xc4: {  	(tm) =	ssettm $0x7FFFFFFF  }
0xc5: {  	_ =	shalt  }
tec
execute0_lowered:
.L_overlay_start_1:
0x0: {  	(tag) =	ssettag $0x1  }
0x1: {  	s1 =	rddreg [dreg:$0x0]  }
0x2: {  	s2 =	srdreg.scid;
	s4 =	rddreg [dreg:$0x1]  }
0x3: {  	s0 =	stileid.u32;
	s3 =	simm.s32 $0x0;
	s8 =	simm.s32 $0x80  }
0x4: {  	s26 =	simm.s32 $0x880;
	s9 =	simm.s32 $0x1080;
	s10 =	simm.s32 $0x1880  }
0x5: {  	s11 =	simm.s32 $0x2080;
	s12 =	simm.s32 $0x2880;
	s13 =	simm.s32 $0x3080  }
0x6: {  	s14 =	simm.s32 $0x3880;
	s15 =	simm.s32 $0x4080;
	s16 =	simm.s32 $0x4880  }
0x7: {  	s17 =	simm.s32 $0x5080;
	s18 =	simm.s32 $0x5880;
	s19 =	simm.s32 $0x6080  }
0x8: {  	s20 =	simm.s32 $0x6880;
	s21 =	simm.s32 $0x7080;
	s22 =	simm.s32 $0x7880  }
0x9: {  	s23 =	simm.s32 $0x8080;
	s28 =	simm.s32 $0xA080;
	s29 =	simm.s32 $0xA880  }
0xa: {  	s30 =	simm.s32 $0xB080;
	s5 =	sand.u32 $0x1, s2;
	s2 =	rddreg [dreg:$0x2]  }
0xb: {  	s31 =	simm.s32 $0xB880;
	s6 =	sshll.u32 s0, $0x4;
	[smem:$0x7FF] =	sst s3  }
0xc: {  	s7 =	sshll.u32 s5, $0x3;
	_ =	strace $0x80000047;
	s5 =	ssub.s32 $0x2, s5  }
0xd: {  	[dreg:$0x6] =	wrdreg s26;
	s26 =	simm.s32 $0x9880;
	s6 =	sor.u32 s7, s6  }
0xe: {  	s24 =	sshrl.u32 s5, $0x1;
	s7 =	simm.s32 $0x2;
	s4 =	sadd.s32 s6, s4  }
0xf: {  	s6 =	smul.u32 $0x300, s6;
	s25 =	ssub.s32 s5, s24;
	s4 =	sadd.s32 $0xC00, s4  }
0x10: {  	v2 =	vlaneseq.u32;
	s5 =	sadd.s32 $0x200, s2;
	s24 =	simm.s32 $0x8880;
	[dreg:$0x4] =	wrdreg s4  }
0x11: {  	vm0 =	vmmov $0xffff;
	v1 =	vshrl.u32 v2, $0x3;
	s1 =	sadd.s32 s1, s6;
	s4 =	sadd.s32 $0x100, s2;
	s6 =	smax.u32 s25, $0x1  }
0x12: {  	v0 =	vand.u32 $0x7, v2;
	v2 =	vor.u32 $0x8, v2;
	v1 =	vmul.u32 $0x8, v1;
	s25 =	simm.s32 $0x9080;
	[dreg:$0x5] =	wrdreg s1;
	s1 =	simm.s32 $0x1  }
.LBB2_1:
0x13: {  	s0 =	rddreg [dreg:$0x4]  }
0x14: {  	[tilespmem:s3], [sflag:$0x2] =	stream.linear.gather [hbm4b:s0+s3], $0x40, $0x38;
	[tilespmem:$0xC080] =	vst v63  }
0x15: {  	_ =	swait.ge [sflag:s7], $0x40  }
0x16: {  	[sflag:s7] =	ssyncset.done $0x0  }
0x17: {  	s0 =	rddreg [dreg:$0x5];
	[sflag:s7] =	ssyncadd.s32 $0xFFFFFFC0  }
0x18: {  	[tilespmem:s8], [sflag:$0x2] =	stream.linear.gather [hbm4b:s0+s3], $0xC000, $0x38;
	[tilespmem:$0xC080] =	vst v63  }
0x19: {  	_ =	swait.ge [sflag:s7], $0xC000  }
0x1a: {  	[sflag:s7] =	ssyncset.done $0x0  }
0x1b: {  	[sflag:s7] =	ssyncadd.s32 $0xFFFF4000  }
0x1c: {  	v3 =	vld [tilespmem:$0x0];
	_ =	sdelay $0x4  }
0x1d: {  	v4 =	vshrl.u32 v3, $0x3  }
0x1e: {  	v4 =	vmul.u32 $0x30, v4  }
0x1f: {  	v3 =	vand.u32 $0x7, v3  }
0x20: {  	v3 =	vor.u32 v3, v4  }
0x21: {  	v4 =	vperm.xlane v3, v0;
	_ =	sdelay $0x1  }
0x22: {  	v4 =	vadd.s32 v1, v4;
	_ =	sdelay $0x3  }
0x23: {  	v3 =	vperm.xlane v3, v2  }
0x24: {  	[hbm4b:s2+s3] =	stream.indirect_vreg.scatter [tilespmem:s8], [sflag:$0x1], $0x80, v4, vm0, $0xb8;
	[tilespmem:$0xC080] =	vst v63  }
0x25: {  	s0 =	rddreg [dreg:$0x6];
	v3 =	vadd.s32 v1, v3  }
0x26: {  	[hbm4b:s4+s3] =	stream.indirect_vreg.scatter [tilespmem:s0], [sflag:$0x1], $0x80, v4, vm0, $0xb8;
	[tilespmem:$0xC080] =	vst v63  }
0x27: {  	_ = 	snop  }
0x28: {  	[hbm4b:s5+s3] =	stream.indirect_vreg.scatter [tilespmem:s9], [sflag:$0x1], $0x80, v4, vm0, $0xb8;
	[tilespmem:$0xC080] =	vst v63  }
0x29: {  	_ = 	snop  }
0x2a: {  	[hbm4b:s2+s3] =	stream.indirect_vreg.scatter [tilespmem:s10], [sflag:$0x1], $0x80, v3, vm0, $0xb8;
	[tilespmem:$0xC080] =	vst v63  }
0x2b: {  	_ = 	snop  }
0x2c: {  	[hbm4b:s4+s3] =	stream.indirect_vreg.scatter [tilespmem:s11], [sflag:$0x1], $0x80, v3, vm0, $0xb8;
	[tilespmem:$0xC080] =	vst v63  }
0x2d: {  	_ = 	snop  }
0x2e: {  	[hbm4b:s5+s3] =	stream.indirect_vreg.scatter [tilespmem:s12], [sflag:$0x1], $0x80, v3, vm0, $0xb8;
	[tilespmem:$0xC080] =	vst v63  }
0x2f: {  	v3 =	vld [tilespmem:$0x10];
	_ =	sdelay $0x4  }
0x30: {  	v61 =	vshrl.u32 v3, $0x3  }
0x31: {  	v4 =	vmul.u32 $0x30, v61  }
0x32: {  	v3 =	vand.u32 $0x7, v3  }
0x33: {  	v3 =	vor.u32 v3, v4  }
0x34: {  	v4 =	vperm.xlane v3, v0;
	_ =	sdelay $0x1  }
0x35: {  	v4 =	vadd.s32 v1, v4;
	_ =	sdelay $0x3  }
0x36: {  	v3 =	vperm.xlane v3, v2  }
0x37: {  	[hbm4b:s2+s3] =	stream.indirect_vreg.scatter [tilespmem:s13], [sflag:$0x1], $0x80, v4, vm0, $0xb8;
	[tilespmem:$0xC080] =	vst v63  }
0x38: {  	v3 =	vadd.s32 v1, v3  }
0x39: {  	[hbm4b:s4+s3] =	stream.indirect_vreg.scatter [tilespmem:s14], [sflag:$0x1], $0x80, v4, vm0, $0xb8;
	[tilespmem:$0xC080] =	vst v63  }
0x3a: {  	_ = 	snop  }
0x3b: {  	[hbm4b:s5+s3] =	stream.indirect_vreg.scatter [tilespmem:s15], [sflag:$0x1], $0x80, v4, vm0, $0xb8;
	[tilespmem:$0xC080] =	vst v63  }
0x3c: {  	_ = 	snop  }
0x3d: {  	[hbm4b:s2+s3] =	stream.indirect_vreg.scatter [tilespmem:s16], [sflag:$0x1], $0x80, v3, vm0, $0xb8;
	[tilespmem:$0xC080] =	vst v63  }
0x3e: {  	_ = 	snop  }
0x3f: {  	[hbm4b:s4+s3] =	stream.indirect_vreg.scatter [tilespmem:s17], [sflag:$0x1], $0x80, v3, vm0, $0xb8;
	[tilespmem:$0xC080] =	vst v63  }
0x40: {  	_ = 	snop  }
0x41: {  	[hbm4b:s5+s3] =	stream.indirect_vreg.scatter [tilespmem:s18], [sflag:$0x1], $0x80, v3, vm0, $0xb8;
	[tilespmem:$0xC080] =	vst v63  }
0x42: {  	v3 =	vld [tilespmem:$0x20];
	_ =	sdelay $0x4  }
0x43: {  	v62 =	vshrl.u32 v3, $0x3  }
0x44: {  	v4 =	vmul.u32 $0x30, v62  }
0x45: {  	v3 =	vand.u32 $0x7, v3  }
0x46: {  	v3 =	vor.u32 v3, v4  }
0x47: {  	v4 =	vperm.xlane v3, v0;
	_ =	sdelay $0x1  }
0x48: {  	v4 =	vadd.s32 v1, v4;
	_ =	sdelay $0x3  }
0x49: {  	v3 =	vperm.xlane v3, v2  }
0x4a: {  	[hbm4b:s2+s3] =	stream.indirect_vreg.scatter [tilespmem:s19], [sflag:$0x1], $0x80, v4, vm0, $0xb8;
	[tilespmem:$0xC080] =	vst v63  }
0x4b: {  	v3 =	vadd.s32 v1, v3  }
0x4c: {  	[hbm4b:s4+s3] =	stream.indirect_vreg.scatter [tilespmem:s20], [sflag:$0x1], $0x80, v4, vm0, $0xb8;
	[tilespmem:$0xC080] =	vst v63  }
0x4d: {  	_ = 	snop  }
0x4e: {  	[hbm4b:s5+s3] =	stream.indirect_vreg.scatter [tilespmem:s21], [sflag:$0x1], $0x80, v4, vm0, $0xb8;
	[tilespmem:$0xC080] =	vst v63  }
0x4f: {  	_ = 	snop  }
0x50: {  	[hbm4b:s2+s3] =	stream.indirect_vreg.scatter [tilespmem:s22], [sflag:$0x1], $0x80, v3, vm0, $0xb8;
	[tilespmem:$0xC080] =	vst v63  }
0x51: {  	_ = 	snop  }
0x52: {  	[hbm4b:s4+s3] =	stream.indirect_vreg.scatter [tilespmem:s23], [sflag:$0x1], $0x80, v3, vm0, $0xb8;
	[tilespmem:$0xC080] =	vst v63  }
0x53: {  	_ = 	snop  }
0x54: {  	[hbm4b:s5+s3] =	stream.indirect_vreg.scatter [tilespmem:s24], [sflag:$0x1], $0x80, v3, vm0, $0xb8;
	[tilespmem:$0xC080] =	vst v63  }
0x55: {  	v3 =	vld [tilespmem:$0x30];
	_ =	sdelay $0x4  }
0x56: {  	v63 =	vshrl.u32 v3, $0x3  }
0x57: {  	v4 =	vmul.u32 $0x30, v63  }
0x58: {  	v3 =	vand.u32 $0x7, v3  }
0x59: {  	v3 =	vor.u32 v3, v4  }
0x5a: {  	v4 =	vperm.xlane v3, v0;
	_ =	sdelay $0x1  }
0x5b: {  	v4 =	vadd.s32 v1, v4;
	_ =	sdelay $0x3  }
0x5c: {  	v3 =	vperm.xlane v3, v2  }
0x5d: {  	[hbm4b:s2+s3] =	stream.indirect_vreg.scatter [tilespmem:s25], [sflag:$0x1], $0x80, v4, vm0, $0xb8;
	[tilespmem:$0xC080] =	vst v63  }
0x5e: {  	v3 =	vadd.s32 v1, v3  }
0x5f: {  	[hbm4b:s4+s3] =	stream.indirect_vreg.scatter [tilespmem:s26], [sflag:$0x1], $0x80, v4, vm0, $0xb8;
	[tilespmem:$0xC080] =	vst v63  }
0x60: {  	_ = 	snop  }
0x61: {  	[hbm4b:s5+s3] =	stream.indirect_vreg.scatter [tilespmem:s28], [sflag:$0x1], $0x80, v4, vm0, $0xb8;
	[tilespmem:$0xC080] =	vst v63  }
0x62: {  	_ = 	snop  }
0x63: {  	[hbm4b:s2+s3] =	stream.indirect_vreg.scatter [tilespmem:s29], [sflag:$0x1], $0x80, v3, vm0, $0xb8;
	[tilespmem:$0xC080] =	vst v63  }
0x64: {  	p0 =	sne.s32 s6, $0x1  }
0x65: {  	[hbm4b:s4+s3] =	stream.indirect_vreg.scatter [tilespmem:s30], [sflag:$0x1], $0x80, v3, vm0, $0xb8;
	[tilespmem:$0xC080] =	vst v63  }
.Ltmp0:
0x66: {  	_ = 	snop;
	(pc) =	sbr.rel @p0 .LBB2_1-.Ltmp0, $4  }
0x67: {  	[hbm4b:s5+s3] =	stream.indirect_vreg.scatter [tilespmem:s31], [sflag:$0x1], $0x80, v3, vm0, $0xb8;
	[tilespmem:$0xC080] =	vst v63  }
0x68: {  	_ =	swait.ge [sflag:s1], $0xC000  }
0x69: {  	[sflag:s1] =	ssyncset.done $0x0  }
0x6a: {  	s6 =	sadd.s32 $0xFFFFFFFF, s6;
	[sflag:s1] =	ssyncadd.s32 $0xFFFF4000  }
0x6b: {  	_ =	sfence.sel $0x180000  }
0x6c: {  	[bflag:$0x0] =	sbarrier.arrive $0xFFFF  }
0x6d: {  	_ =	strace $0x90000047  }
0x6e: {  	s0 =	stileid.u32;
	[bflag:$0x2] =	sbarrier.arrive $0xFFFF  }
0x6f: {  	p0 =	sne.s32 s0, $0x0;
	s0 =	rddreg [dreg:$0x3]  }
0x70: {  	s0 =	sadd.s32 @!p0 $0x100000, s0  }
0x71: {  	[sflag:s0] =	ssyncadd.tile.s32 @!p0 $0x1;
	_ =	shalt  }
.Lfunc_end2:
_tile_overlayer_lowered:
.L_overlay_start_2:
0x72: {  	(tag) =	ssettag $0x2  }
0x73: {  	s0 =	rddreg [dreg:$0x0];
	s2 =	stileid.u32  }
0x74: {  	s1 =	rddreg [dreg:$0x1];
	p0 =	sne.s32 s2, $0x0  }
0x75: {  	s3 =	rddreg [dreg:$0x2];
	[bflag:$0x3] =	sbarrier.arrive $0xFFFF;
	s2 =	simm.s32 @!p0 $0x1C02  }
0x76: {  	[timem:s3], [sflag:s2] =	dma.local @!p0 [hbm:s0], s1  }
0x77: {  	s0 =	simm.s32 @!p0 $0x2  }
0x78: {  	_ =	swait.ge @!p0 [sflag:s0], s1  }
0x79: {  	s1 =	ssub.s32 @!p0 $0x0, s1;
	[sflag:s0] =	ssyncset.done @!p0 $0x0  }
0x7a: {  	[sflag:s0] =	ssyncadd.s32 @!p0 s1  }
0x7b: {  	[bflag:$0x3] =	sbarrier.arrive $0xFFFF  }
0x7c: {  	_ =	shalt  }

// kernel: kernel.9.cloned.1.call-start
scs
__scs_entry_jumppad:
0x0: {  	(pc) =	sbr.rel $0x88, $3  }
0x1: {  	(tag) =	ssettag $0x0;
	lr =	simm.s32 $0x1  }
0x2: {  	[smem:$0x3F9C] =	sst lr;
	_ =	strace $0xD0000000  }
0x3: {  	_ = 	snop  }
0x4: {  	_ = 	snop  }
0x5: {  	_ = 	snop  }
0x6: {  	_ = 	snop  }
0x7: {  	_ = 	snop  }
__scs_overlays_trampoline_lowered:
0x8: {  	[smem:$0x3FAB] =	sst s0  }
0x9: {  	[smem:$0x3FAC] =	sst s1  }
0xa: {  	[smem:$0x3FAD] =	sst s2  }
0xb: {  	[smem:$0x3FAE] =	sst s3  }
0xc: {  	[smem:$0x3FAF] =	sst s4  }
0xd: {  	[smem:$0x3FB0] =	sst s5  }
0xe: {  	[smem:$0x3FB1] =	sst s6  }
0xf: {  	[smem:$0x3FB2] =	sst s7  }
0x10: {  	[smem:$0x3FB3] =	sst s8  }
0x11: {  	[smem:$0x3FB4] =	sst s9;
	s0 =	simm.s32 @!p0 $0x0  }
0x12: {  	s1 =	sld [smem:$0x3F9A];
	s0 =	simm.s32 @p0 $0x1  }
0x13: {  	[smem:$0x3FB5] =	sst s0;
	s0 =	simm.s32 @!p1 $0x0  }
0x14: {  	s2 =	sld [smem:$0x3F99];
	s0 =	simm.s32 @p1 $0x1  }
0x15: {  	[smem:$0x3FB6] =	sst s0;
	s0 =	simm.s32 @!p2 $0x0  }
0x16: {  	s3 =	sld [smem:$0x3FDB];
	s0 =	simm.s32 @p2 $0x1  }
0x17: {  	s4 =	simm.s32 $0x1BF5;
	[smem:$0x3FB8] =	sst s0  }
0x18: {  	s0 =	sld [smem:$0x3F9B];
	_ =	swait.ge [sflag:s4], $0x0  }
0x19: {  	s7 =	sld [smem:$0x3F9C]  }
0x1a: {  	s8 =	sadd.s32 $0xFFFFE003, lr  }
0x1b: {  	s9 =	sadd.s32 $0xFFFFFEF7, lr;
	s5 =	simm.s32 $0xFFFFFFFF;
	p2 =	slt.u32 s8, $0xFFFFF086  }
0x1c: {  	p1 =	slt.u32 s9, $0xF7A;
	s5 =	simm.s32 @!p2 $0x0  }
0x1d: {  	s5 =	simm.s32 @p1 $0x1;
	p0 =	seq.s32 s7, s2  }
0x1e: {  	s7 =	smul.u32 @!p0 $0xF7A, s2;
	p2 =	seq.s32 @!p0 s5, $0x0  }
0x1f: {  	s9 =	smul.u32 $0xF7A, s1;
	s8 =	simm.s32 @!p0 $0x1BF5;
	p2 =	por !p2, p0  }
0x20: {  	[sflag:s8] =	ssyncset.s32 @!p0 $0xFFFFF086;
	s6 =	sadd.s32 @!p0 s3, s7;
	s7 =	simm.s32 @!p0 $0x108  }
0x21: {  	s3 =	sadd.s32 s3, s9;
	s6 =	sadd.s32 @!p0 $0x88, s6;
	s7 =	simm.s32 @p2 $0x1082  }
0x22: {  	[simem:s7], [sflag:s8] =	dma.local @!p0 [hbm:s6], $0xF7A  }
0x23: {  	s9 =	sor.u32 $0xD0000000, s2;
	s6 =	simm.s32 $0x108;
	_ =	swait.ge @!p0 [sflag:s8], $0x0  }
0x24: {  	s3 =	sadd.s32 $0x88, s3;
	s6 =	simm.s32 @!p1 $0x1082;
	[sflag:s4] =	ssyncset.s32 $0xFFFFF086  }
0x25: {  	[simem:s6], [sflag:s4] =	dma.local [hbm:s3], $0xF7A  }
0x26: {  	[smem:$0x3F9C] =	sst s1;
	(tag) =	ssettag s2;
	_ =	strace s9  }
0x27: {  	s1 =	sld [smem:$0x3FAC]  }
0x28: {  	s2 =	sld [smem:$0x3FAD]  }
0x29: {  	s4 =	sld [smem:$0x3FAF]  }
0x2a: {  	p0 =	seq.s32 s5, $0x0;
	s5 =	sld [smem:$0x3FB0]  }
0x2b: {  	s6 =	sld [smem:$0x3FB1]  }
0x2c: {  	s7 =	sld [smem:$0x3FB2]  }
0x2d: {  	s3 =	simm.s32 $0x108;
	s8 =	sld [smem:$0x3FB3]  }
0x2e: {  	s3 =	simm.s32 @!p0 $0x1082;
	s9 =	sld [smem:$0x3FB4]  }
0x2f: {  	lr =	sadd.s32 s0, s3;
	s0 =	sld [smem:$0x3FAB]  }
0x30: {  	s3 =	sld [smem:$0x3FAE]  }
0x31: {  	[smem:$0x3FB7] =	sst s10  }
0x32: {  	s10 =	sld [smem:$0x3FB5];
	_ =	sdelay $0x3  }
0x33: {  	p0 =	seq.s32 s10, $0x1;
	s10 =	sld [smem:$0x3FB7];
	_ =	sdelay $0x3  }
0x34: {  	[smem:$0x3FB7] =	sst s10  }
0x35: {  	s10 =	sld [smem:$0x3FB6];
	_ =	sdelay $0x3  }
0x36: {  	p1 =	seq.s32 s10, $0x1;
	s10 =	sld [smem:$0x3FB7];
	_ =	sdelay $0x3  }
0x37: {  	[smem:$0x3FB7] =	sst s10  }
0x38: {  	s10 =	sld [smem:$0x3FB8]  }
0x39: {  	_ = 	snop;
	(pc) =	sbr.ind lr, $3  }
0x3a: {  	_ = 	snop  }
0x3b: {  	_ = 	snop  }
0x3c: {  	p2 =	seq.s32 s10, $0x1;
	s10 =	sld [smem:$0x3FB7]  }
0x3d: {  	_ =	shalt  }
0x3e: {  	_ =	shalt  }
0x3f: {  	_ =	shalt  }
0x40: {  	_ =	shalt  }
0x41: {  	_ =	shalt  }
0x42: {  	_ =	shalt  }
0x43: {  	_ =	shalt  }
0x44: {  	_ =	shalt  }
0x45: {  	_ =	shalt  }
0x46: {  	_ =	shalt  }
0x47: {  	_ =	shalt  }
0x48: {  	_ =	shalt  }
0x49: {  	_ =	shalt  }
0x4a: {  	_ =	shalt  }
0x4b: {  	_ =	shalt  }
0x4c: {  	_ =	shalt  }
0x4d: {  	_ =	shalt  }
0x4e: {  	_ =	shalt  }
0x4f: {  	_ =	shalt  }
0x50: {  	_ =	shalt  }
0x51: {  	_ =	shalt  }
0x52: {  	_ =	shalt  }
0x53: {  	_ =	shalt  }
0x54: {  	_ =	shalt  }
0x55: {  	_ =	shalt  }
0x56: {  	_ =	shalt  }
0x57: {  	_ =	shalt  }
0x58: {  	_ =	shalt  }
0x59: {  	_ =	shalt  }
0x5a: {  	_ =	shalt  }
0x5b: {  	_ =	shalt  }
0x5c: {  	_ =	shalt  }
0x5d: {  	_ =	shalt  }
0x5e: {  	_ =	shalt  }
0x5f: {  	_ =	shalt  }
0x60: {  	_ =	shalt  }
0x61: {  	_ =	shalt  }
0x62: {  	_ =	shalt  }
0x63: {  	_ =	shalt  }
0x64: {  	_ =	shalt  }
0x65: {  	_ =	shalt  }
0x66: {  	_ =	shalt  }
0x67: {  	_ =	shalt  }
0x68: {  	_ =	shalt  }
0x69: {  	_ =	shalt  }
0x6a: {  	_ =	shalt  }
0x6b: {  	_ =	shalt  }
0x6c: {  	_ =	shalt  }
0x6d: {  	_ =	shalt  }
0x6e: {  	_ =	shalt  }
0x6f: {  	_ =	shalt  }
0x70: {  	_ =	shalt  }
0x71: {  	_ =	shalt  }
0x72: {  	_ =	shalt  }
0x73: {  	_ =	shalt  }
0x74: {  	_ =	shalt  }
0x75: {  	_ =	shalt  }
0x76: {  	_ =	shalt  }
0x77: {  	_ =	shalt  }
0x78: {  	_ =	shalt  }
0x79: {  	_ =	shalt  }
0x7a: {  	_ =	shalt  }
0x7b: {  	_ =	shalt  }
0x7c: {  	_ =	shalt  }
0x7d: {  	_ =	shalt  }
0x7e: {  	_ =	shalt  }
0x7f: {  	_ =	shalt  }
0x80: {  	_ =	shalt  }
0x81: {  	_ =	shalt  }
0x82: {  	_ =	shalt  }
0x83: {  	_ =	shalt  }
0x84: {  	_ =	shalt  }
0x85: {  	_ =	shalt  }
0x86: {  	_ =	shalt  }
0x87: {  	_ =	shalt  }
.Lfunc_end0:
.L_simem_size_0:
called_computation.1_lowered:
.L_overlay_start_0:
0x88: {  	s2 =	sld [smem:$0x3FD9]  }
0x89: {  	s3 =	sld [smem:$0x3FFE];
	_ =	sdelay $0x1  }
0x8a: {  	s1 =	srdreg.scid  }
0x8b: {  	s0 =	sand.u32 $0x1, s1  }
0x8c: {  	s17 =	sshll.u32 s0, $0xA;
	s2 =	sadd.s32 s3, s2  }
0x8d: {  	s2 =	sadd.s32 s2, s17  }
0x8e: {  	[smem:$0x3FC3] =	sst s2  }
0x8f: {  	_ = 	snop  }
0x90: {  	s2 =	sld [smem:$0x3FD0];
	(tm) =	ssettm $0x1  }
0x91: {  	s18 =	sld [smem:$0x3FFB];
	_ =	sdelay $0x3  }
0x92: {  	_ =	strace s18  }
0x93: {  	s3 =	sld [smem:$0x3FFC];
	_ =	sdelay $0x3  }
0x94: {  	_ =	strace s3  }
0x95: {  	s3 =	sld [smem:$0x3FFD];
	_ =	sdelay $0x3  }
0x96: {  	_ =	strace s3  }
0x97: {  	_ =	strace $0x8FFFFFFF  }
0x98: {  	s19 =	sld [smem:$0x3FDB];
	_ =	sdelay $0x1  }
0x99: {  	s4 =	simm.s32 $_scs_section_size  }
0x9a: {  	s5 =	simm.s32 $_size__tile_overlayer_lowered;
	s6 =	simm.s32 $_tile_overlayer_lowered  }
0x9b: {  	s22 =	simm.s32 $0x1BFF;
	s21 =	sshll.u32 s6, $0x1;
	s3 =	sadd.s32 s4, s19  }
0x9c: {  	s7 =	simm.s32 $0x0;
	s20 =	sshll.u32 s5, $0x1;
	s5 =	sadd.s32 s21, s3  }
0x9d: {  	[timem:s7], [sflag:s22] =	dma.local [hbm:s5], s20  }
0x9e: {  	_ =	swait.ge [sflag:s22], s20  }
0x9f: {  	s4 =	ssub.s32 $0x0, s20;
	[sflag:s22] =	ssyncset.done $0x0  }
0xa0: {  	[sflag:s22] =	ssyncadd.s32 s4;
	_ =	sdelay $0x1  }
0xa1: {  	s23 =	simm.s32 $0x1B8B  }
0xa2: {  	_ =	swait.ge [sflag:s23], $0x1  }
0xa3: {  	[sflag:s23] =	ssyncset.done $0x0  }
0xa4: {  	s25 =	simm.s32 $0x1B8E;
	s24 =	sld [smem:$0x3FFE];
	[sflag:s23] =	ssyncadd.s32 $0xFFFFFFFF  }
0xa5: {  	s26 =	simm.s32 $execute0_lowered;
	[smem:$0x3FD2] =	sst s25  }
0xa6: {  	s5 =	sshll.u32 s26, $0x1;
	_ =	strace $0x80000049;
	[dreg:$0x1] =	wrdreg $0xFFFFFFFF  }
0xa7: {  	s28 =	simm.s32 $_size_execute0_lowered;
	s3 =	sadd.s32 s3, s5;
	[dreg:$0x0] =	wrdreg $0x0  }
0xa8: {  	s5 =	sshll.u32 s28, $0x1;
	[dreg:$0x2] =	wrdreg s3  }
0xa9: {  	[dreg:$0x3] =	wrdreg s5  }
0xaa: {  	[dreg:$0x4] =	wrdreg $0xC0  }
0xab: {  	_ =	task [dreg:s7], $0x5FFFF  }
0xac: {  	[dreg:$0x1] =	wrdreg $0xFFFFFFFF  }
0xad: {  	[dreg:$0x0] =	wrdreg $0x60  }
0xae: {  	[dreg:$0x2] =	wrdreg s24  }
0xaf: {  	[dreg:$0x3] =	wrdreg s2  }
0xb0: {  	[dreg:$0x4] =	wrdreg $0x9  }
0xb1: {  	_ =	task.clear_ibuf [dreg:s7], $0x5FFFF;
	_ =	strace $0x90000049  }
0xb2: {  	s29 =	simm.s32 $0x9;
	_ =	strace $0x8000004B  }
0xb3: {  	_ =	swait.ge [sflag:s29], $0x1  }
0xb4: {  	[sflag:s29] =	ssyncadd.s32 $0xFFFFFFFF  }
0xb5: {  	_ =	strace $0x9000004B  }
0xb6: {  	_ =	sfence  }
0xb7: {  	s30 =	sld [smem:$0x0];
	_ =	sdelay $0x2  }
0xb8: {  	s31 =	sshll.u32 s1, $0xD;
	s1 =	sshrl.u32 s1, $0x2  }
0xb9: {  	s3 =	sand.u32 $0x4000, s31;
	s1 =	sadd.s32 s1, s30  }
0xba: {  	s0 =	sor.u32 s3, s0;
	s1 =	sshll.u32 s1, $0x11  }
0xbb: {  	s0 =	sor.u32 s1, s0  }
0xbc: {  	s0 =	sadd.s32 $0x8F2B, s0  }
0xbd: {  	[sflag:s0] =	ssyncadd.remote.s32 $0x1  }
0xbe: {  	_ =	sfence.sel $0xFFFF  }
0xbf: {  	[dreg:$0x0] =	wrdreg $0xFFFFFFFF;
	(pc) =	sbr.abs _section_cstart, $3  }
0xc0: {  	[dreg:$0x1] =	wrdreg $0xFFFFFFFF  }
0xc1: {  	_ =	task.clear_ibuf [dreg:s7], $0x2FFFF;
	_ =	strace $0x9FFFFFFF  }
0xc2: {  	(tm) =	ssettm $0x7FFFFFFF  }
0xc3: {  	_ =	shalt  }
tec
execute0_lowered:
.L_overlay_start_1:
0x0: {  	(tag) =	ssettag $0x1  }
0x1: {  	s0 =	rddreg [dreg:$0x0]  }
0x2: {  	s5 =	rddreg [dreg:$0x1];
	s3 =	srdreg.scid  }
0x3: {  	s2 =	simm.s32 $0x0;
	s1 =	stileid.u32;
	s26 =	simm.s32 $0x880  }
0x4: {  	s10 =	simm.s32 $0x1880;
	s11 =	simm.s32 $0x2080;
	s12 =	simm.s32 $0x2880  }
0x5: {  	s13 =	simm.s32 $0x3080;
	s14 =	simm.s32 $0x3880;
	s15 =	simm.s32 $0x4080  }
0x6: {  	s16 =	simm.s32 $0x4880;
	s17 =	simm.s32 $0x5080;
	s18 =	simm.s32 $0x5880  }
0x7: {  	s19 =	simm.s32 $0x6080;
	s20 =	simm.s32 $0x6880;
	s21 =	simm.s32 $0x7080  }
0x8: {  	s22 =	simm.s32 $0x7880;
	s28 =	simm.s32 $0xA080;
	s29 =	simm.s32 $0xA880  }
0x9: {  	s30 =	simm.s32 $0xB080;
	s31 =	simm.s32 $0xB880;
	s3 =	sand.u32 $0x1, s3  }
0xa: {  	[smem:$0x7FF] =	sst s2;
	s4 =	sshll.u32 s1, $0x4;
	s6 =	sshll.u32 s3, $0x3  }
0xb: {  	_ =	strace $0x8000004A;
	s23 =	ssub.s32 $0x2, s3;
	s3 =	sadd.s32 $0xE00, s0  }
0xc: {  	[dreg:$0x5] =	wrdreg s26;
	s26 =	simm.s32 $0x9880;
	s4 =	sor.u32 s6, s4  }
0xd: {  	s8 =	sshrl.u32 s23, $0x1;
	s7 =	sadd.s32 s4, s0;
	s9 =	smul.u32 $0x300, s4  }
0xe: {  	s6 =	ssub.s32 s23, s8;
	s4 =	sadd.s32 $0xF00, s0;
	s8 =	simm.s32 $0x80  }
0xf: {  	s23 =	simm.s32 $0x8080;
	s24 =	sadd.s32 $0xC00, s7;
	s6 =	smax.u32 s6, $0x1  }
0x10: {  	v2 =	vlaneseq.u32;
	s7 =	simm.s32 $0x2;
	[dreg:$0x3] =	wrdreg s24;
	s25 =	sadd.s32 s5, s9  }
0x11: {  	vm0 =	vmmov $0xffff;
	v1 =	vshrl.u32 v2, $0x3;
	s5 =	sadd.s32 $0x1000, s0;
	s9 =	simm.s32 $0x1080;
	s24 =	simm.s32 $0x8880  }
0x12: {  	v0 =	vand.u32 $0x7, v2;
	v2 =	vor.u32 $0x8, v2;
	v1 =	vmul.u32 $0x8, v1;
	s0 =	simm.s32 $0x1;
	[dreg:$0x4] =	wrdreg s25;
	s25 =	simm.s32 $0x9080  }
.LBB2_1:
0x13: {  	s1 =	rddreg [dreg:$0x3]  }
0x14: {  	[tilespmem:s2], [sflag:$0x2] =	stream.linear.gather [hbm4b:s1+s2], $0x40, $0x38;
	[tilespmem:$0xC080] =	vst v63  }
0x15: {  	_ =	swait.ge [sflag:s7], $0x40  }
0x16: {  	[sflag:s7] =	ssyncset.done $0x0  }
0x17: {  	[sflag:s7] =	ssyncadd.s32 $0xFFFFFFC0  }
0x18: {  	v3 =	vld [tilespmem:$0x0];
	_ =	sdelay $0x4  }
0x19: {  	v4 =	vshrl.u32 v3, $0x3  }
0x1a: {  	v4 =	vmul.u32 $0x30, v4  }
0x1b: {  	v3 =	vand.u32 $0x7, v3  }
0x1c: {  	v3 =	vor.u32 v3, v4  }
0x1d: {  	v4 =	vperm.xlane v3, v0;
	_ =	sdelay $0x1  }
0x1e: {  	v4 =	vadd.s32 v1, v4;
	_ =	sdelay $0x3  }
0x1f: {  	v3 =	vperm.xlane v3, v2  }
0x20: {  	[tilespmem:s8], [sflag:$0x1] =	stream.indirect_vreg.gather [hbm4b:s3+s2], $0x80, v4, vm0, $0xb8;
	[tilespmem:$0xC080] =	vst v63  }
0x21: {  	s1 =	rddreg [dreg:$0x5];
	v3 =	vadd.s32 v1, v3  }
0x22: {  	[tilespmem:s1], [sflag:$0x1] =	stream.indirect_vreg.gather [hbm4b:s4+s2], $0x80, v4, vm0, $0xb8;
	[tilespmem:$0xC080] =	vst v63  }
0x23: {  	_ = 	snop  }
0x24: {  	[tilespmem:s9], [sflag:$0x1] =	stream.indirect_vreg.gather [hbm4b:s5+s2], $0x80, v4, vm0, $0xb8;
	[tilespmem:$0xC080] =	vst v63  }
0x25: {  	_ = 	snop  }
0x26: {  	[tilespmem:s10], [sflag:$0x1] =	stream.indirect_vreg.gather [hbm4b:s3+s2], $0x80, v3, vm0, $0xb8;
	[tilespmem:$0xC080] =	vst v63  }
0x27: {  	_ = 	snop  }
0x28: {  	[tilespmem:s11], [sflag:$0x1] =	stream.indirect_vreg.gather [hbm4b:s4+s2], $0x80, v3, vm0, $0xb8;
	[tilespmem:$0xC080] =	vst v63  }
0x29: {  	_ = 	snop  }
0x2a: {  	[tilespmem:s12], [sflag:$0x1] =	stream.indirect_vreg.gather [hbm4b:s5+s2], $0x80, v3, vm0, $0xb8;
	[tilespmem:$0xC080] =	vst v63  }
0x2b: {  	v3 =	vld [tilespmem:$0x10];
	_ =	sdelay $0x4  }
0x2c: {  	v61 =	vshrl.u32 v3, $0x3  }
0x2d: {  	v4 =	vmul.u32 $0x30, v61  }
0x2e: {  	v3 =	vand.u32 $0x7, v3  }
0x2f: {  	v3 =	vor.u32 v3, v4  }
0x30: {  	v4 =	vperm.xlane v3, v0;
	_ =	sdelay $0x1  }
0x31: {  	v4 =	vadd.s32 v1, v4;
	_ =	sdelay $0x3  }
0x32: {  	v3 =	vperm.xlane v3, v2  }
0x33: {  	[tilespmem:s13], [sflag:$0x1] =	stream.indirect_vreg.gather [hbm4b:s3+s2], $0x80, v4, vm0, $0xb8;
	[tilespmem:$0xC080] =	vst v63  }
0x34: {  	v3 =	vadd.s32 v1, v3  }
0x35: {  	[tilespmem:s14], [sflag:$0x1] =	stream.indirect_vreg.gather [hbm4b:s4+s2], $0x80, v4, vm0, $0xb8;
	[tilespmem:$0xC080] =	vst v63  }
0x36: {  	_ = 	snop  }
0x37: {  	[tilespmem:s15], [sflag:$0x1] =	stream.indirect_vreg.gather [hbm4b:s5+s2], $0x80, v4, vm0, $0xb8;
	[tilespmem:$0xC080] =	vst v63  }
0x38: {  	_ = 	snop  }
0x39: {  	[tilespmem:s16], [sflag:$0x1] =	stream.indirect_vreg.gather [hbm4b:s3+s2], $0x80, v3, vm0, $0xb8;
	[tilespmem:$0xC080] =	vst v63  }
0x3a: {  	_ = 	snop  }
0x3b: {  	[tilespmem:s17], [sflag:$0x1] =	stream.indirect_vreg.gather [hbm4b:s4+s2], $0x80, v3, vm0, $0xb8;
	[tilespmem:$0xC080] =	vst v63  }
0x3c: {  	_ = 	snop  }
0x3d: {  	[tilespmem:s18], [sflag:$0x1] =	stream.indirect_vreg.gather [hbm4b:s5+s2], $0x80, v3, vm0, $0xb8;
	[tilespmem:$0xC080] =	vst v63  }
0x3e: {  	v3 =	vld [tilespmem:$0x20];
	_ =	sdelay $0x4  }
0x3f: {  	v62 =	vshrl.u32 v3, $0x3  }
0x40: {  	v4 =	vmul.u32 $0x30, v62  }
0x41: {  	v3 =	vand.u32 $0x7, v3  }
0x42: {  	v3 =	vor.u32 v3, v4  }
0x43: {  	v4 =	vperm.xlane v3, v0;
	_ =	sdelay $0x1  }
0x44: {  	v4 =	vadd.s32 v1, v4;
	_ =	sdelay $0x3  }
0x45: {  	v3 =	vperm.xlane v3, v2  }
0x46: {  	[tilespmem:s19], [sflag:$0x1] =	stream.indirect_vreg.gather [hbm4b:s3+s2], $0x80, v4, vm0, $0xb8;
	[tilespmem:$0xC080] =	vst v63  }
0x47: {  	v3 =	vadd.s32 v1, v3  }
0x48: {  	[tilespmem:s20], [sflag:$0x1] =	stream.indirect_vreg.gather [hbm4b:s4+s2], $0x80, v4, vm0, $0xb8;
	[tilespmem:$0xC080] =	vst v63  }
0x49: {  	_ = 	snop  }
0x4a: {  	[tilespmem:s21], [sflag:$0x1] =	stream.indirect_vreg.gather [hbm4b:s5+s2], $0x80, v4, vm0, $0xb8;
	[tilespmem:$0xC080] =	vst v63  }
0x4b: {  	_ = 	snop  }
0x4c: {  	[tilespmem:s22], [sflag:$0x1] =	stream.indirect_vreg.gather [hbm4b:s3+s2], $0x80, v3, vm0, $0xb8;
	[tilespmem:$0xC080] =	vst v63  }
0x4d: {  	_ = 	snop  }
0x4e: {  	[tilespmem:s23], [sflag:$0x1] =	stream.indirect_vreg.gather [hbm4b:s4+s2], $0x80, v3, vm0, $0xb8;
	[tilespmem:$0xC080] =	vst v63  }
0x4f: {  	_ = 	snop  }
0x50: {  	[tilespmem:s24], [sflag:$0x1] =	stream.indirect_vreg.gather [hbm4b:s5+s2], $0x80, v3, vm0, $0xb8;
	[tilespmem:$0xC080] =	vst v63  }
0x51: {  	v3 =	vld [tilespmem:$0x30];
	_ =	sdelay $0x4  }
0x52: {  	v63 =	vshrl.u32 v3, $0x3  }
0x53: {  	v4 =	vmul.u32 $0x30, v63  }
0x54: {  	v3 =	vand.u32 $0x7, v3  }
0x55: {  	v3 =	vor.u32 v3, v4  }
0x56: {  	v4 =	vperm.xlane v3, v0;
	_ =	sdelay $0x1  }
0x57: {  	v4 =	vadd.s32 v1, v4;
	_ =	sdelay $0x3  }
0x58: {  	v3 =	vperm.xlane v3, v2  }
0x59: {  	[tilespmem:s25], [sflag:$0x1] =	stream.indirect_vreg.gather [hbm4b:s3+s2], $0x80, v4, vm0, $0xb8;
	[tilespmem:$0xC080] =	vst v63  }
0x5a: {  	v3 =	vadd.s32 v1, v3  }
0x5b: {  	[tilespmem:s26], [sflag:$0x1] =	stream.indirect_vreg.gather [hbm4b:s4+s2], $0x80, v4, vm0, $0xb8;
	[tilespmem:$0xC080] =	vst v63  }
0x5c: {  	_ = 	snop  }
0x5d: {  	[tilespmem:s28], [sflag:$0x1] =	stream.indirect_vreg.gather [hbm4b:s5+s2], $0x80, v4, vm0, $0xb8;
	[tilespmem:$0xC080] =	vst v63  }
0x5e: {  	_ = 	snop  }
0x5f: {  	[tilespmem:s29], [sflag:$0x1] =	stream.indirect_vreg.gather [hbm4b:s3+s2], $0x80, v3, vm0, $0xb8;
	[tilespmem:$0xC080] =	vst v63  }
0x60: {  	_ = 	snop  }
0x61: {  	[tilespmem:s30], [sflag:$0x1] =	stream.indirect_vreg.gather [hbm4b:s4+s2], $0x80, v3, vm0, $0xb8;
	[tilespmem:$0xC080] =	vst v63  }
0x62: {  	_ = 	snop  }
0x63: {  	[tilespmem:s31], [sflag:$0x1] =	stream.indirect_vreg.gather [hbm4b:s5+s2], $0x80, v3, vm0, $0xb8;
	[tilespmem:$0xC080] =	vst v63  }
0x64: {  	_ =	swait.ge [sflag:s0], $0xC000  }
0x65: {  	p0 =	sne.s32 s6, $0x1;
	[sflag:s0] =	ssyncset.done $0x0  }
.Ltmp0:
0x66: {  	s1 =	rddreg [dreg:$0x4];
	[sflag:s0] =	ssyncadd.s32 $0xFFFF4000;
	(pc) =	sbr.rel @p0 .LBB2_1-.Ltmp0, $4  }
0x67: {  	[hbm4b:s1+s2] =	stream.linear.scatter [tilespmem:s8], [sflag:$0x2], $0xC000, $0x38;
	[tilespmem:$0xC080] =	vst v63  }
0x68: {  	_ =	swait.ge [sflag:s7], $0xC000  }
0x69: {  	[sflag:s7] =	ssyncset.done $0x0  }
0x6a: {  	s6 =	sadd.s32 $0xFFFFFFFF, s6;
	[sflag:s7] =	ssyncadd.s32 $0xFFFF4000  }
0x6b: {  	_ =	sfence.sel $0x180000  }
0x6c: {  	[bflag:$0x0] =	sbarrier.arrive $0xFFFF  }
0x6d: {  	_ =	strace $0x9000004A  }
0x6e: {  	s0 =	stileid.u32;
	[bflag:$0x2] =	sbarrier.arrive $0xFFFF  }
0x6f: {  	p0 =	sne.s32 s0, $0x0;
	s0 =	rddreg [dreg:$0x2]  }
0x70: {  	s0 =	sadd.s32 @!p0 $0x100000, s0  }
0x71: {  	[sflag:s0] =	ssyncadd.tile.s32 @!p0 $0x1;
	_ =	shalt  }
.Lfunc_end2:
_tile_overlayer_lowered:
.L_overlay_start_2:
0x72: {  	(tag) =	ssettag $0x2  }
0x73: {  	s0 =	rddreg [dreg:$0x0];
	s2 =	stileid.u32  }
0x74: {  	s1 =	rddreg [dreg:$0x1];
	p0 =	sne.s32 s2, $0x0  }
0x75: {  	s3 =	rddreg [dreg:$0x2];
	[bflag:$0x3] =	sbarrier.arrive $0xFFFF;
	s2 =	simm.s32 @!p0 $0x1C02  }
0x76: {  	[timem:s3], [sflag:s2] =	dma.local @!p0 [hbm:s0], s1  }
0x77: {  	s0 =	simm.s32 @!p0 $0x2  }
0x78: {  	_ =	swait.ge @!p0 [sflag:s0], s1  }
0x79: {  	s1 =	ssub.s32 @!p0 $0x0, s1;
	[sflag:s0] =	ssyncset.done @!p0 $0x0  }
0x7a: {  	[sflag:s0] =	ssyncadd.s32 @!p0 s1  }
0x7b: {  	[bflag:$0x3] =	sbarrier.arrive $0xFFFF  }
0x7c: {  	_ =	shalt  }

</sc_bundles>
